<compile_context>
chip_gen: v7x
topology: tpu7x:2x2x1
jax: 0.10.2.dev20260603
libtpu: 0.0.44.dev20260713+nightly
codegen_flags: <defaults>
</compile_context>

<pallas_src>
import functools

import jax
import jax.numpy as jnp
from jax import lax
from jax.experimental import pallas as pl
from jax.experimental.pallas import tpu as pltpu
from jax.experimental.pallas import tpu_sc as plsc

NC = 2
NS = 16
L = 16
NW = NC * NS
SUPER = 25
CAP = 16
IC = 128


def _sc_scan_body(recv_hbm, idx_out, cnt_out, recv_v, idx_v, cnt_v, rot_v,
                  slot_ref):
    E = recv_hbm.shape[0]
    chunk = E // NW
    nsuper = chunk // (L * SUPER)
    wid = lax.axis_index("s") * NC + lax.axis_index("c")
    base = wid * chunk

    pltpu.sync_copy(recv_hbm.at[pl.ds(base, chunk)], recv_v)
    cnt_v[...] = jnp.zeros((L,), jnp.int32)
    slot_ref[0] = 0

    def lane_min(m):
        for k in (8, 4, 2, 1):
            rot_v[pl.ds(0, L)] = m
            rot_v[pl.ds(L, L)] = m
            m = jnp.minimum(m, rot_v[pl.ds(L - k, L)])
        return m[0]

    def scan_group(off, vvec):
        for l in range(L):
            @pl.when(vvec[l] == 0)
            def _record():
                slot = slot_ref[0]

                @pl.when(slot < IC)
                def _store():
                    idx_v[pl.ds(slot * L, L)] = jnp.full(
                        (L,), base + off + l, jnp.int32)

                slot_ref[0] = slot + 1
                cnt_v[...] = cnt_v[...] + 1

    def super_body(sg, carry):
        off0 = sg * (L * SUPER)
        vs = [recv_v[pl.ds(off0 + u * L, L)] for u in range(SUPER)]
        while len(vs) > 1:
            folded = [jnp.minimum(a, b) for a, b in zip(vs[::2], vs[1::2])]
            if len(vs) % 2:
                folded.append(vs[-1])
            vs = folded

        @pl.when(lane_min(vs[0]) == 0)
        def _slow():
            def inner(u, c2):
                off = off0 + u * L
                g = recv_v[pl.ds(off, L)]

                @pl.when(lane_min(g) == 0)
                def _scan():
                    scan_group(off, g)
                return c2
            lax.fori_loop(0, SUPER, inner, 0)
        return carry

    lax.fori_loop(0, nsuper, super_body, 0)
    pltpu.sync_copy(idx_v, idx_out.at[wid])
    pltpu.sync_copy(cnt_v, cnt_out.at[wid])


def _bfr(a):
    return a.astype(jnp.bfloat16).astype(jnp.float32)


def _head_kernel(idx_s, cnt_s, idxall_s, attr_any, cnt2d_ref, idx2d_ref,
                 x0_ref, Wn_ref, bn_ref,
                 We_ref, be_ref, Wm0_ref, bm0_ref, Wm1_ref, bm1_ref,
                 Wu0_ref, bu0_ref, Wu1_ref, bu1_ref, Wc1_ref, bc1_ref,
                 Wc2_ref, bc2_ref, out_ref, rows_v, rowtmp_v, ovf_v, sem):
    dot = functools.partial(jax.lax.dot_general,
                            dimension_numbers=(((1,), (0,)), ((), ())),
                            preferred_element_type=jnp.float32)

    def split3(a):
        hi = _bfr(a)
        lo = _bfr(a - hi)
        l2 = _bfr(a - hi - lo)
        return hi, lo, l2

    def dot_x(a, w):
        hi, lo, l2 = split3(a)
        return dot(hi, w) + dot(lo, w) + dot(l2, w)

    def dot_xx(a, wparts):
        out = None
        for ap in split3(a):
            for wp in wparts:
                t = dot(ap, wp)
                out = t if out is None else out + t
        return out

    rows_v[...] = jnp.zeros((NW * CAP, 8 * L), jnp.float32)
    ovf_v[...] = jnp.zeros((8 * L,), jnp.float32)

    def issue_w(w, n):
        cw = jnp.minimum(cnt_s[w * CAP], CAP)

        def issue_j(j, nn):
            s = w * CAP + j
            pltpu.make_async_copy(attr_any.at[idx_s[s] // 8], rows_v.at[s],
                                  sem).start()
            return nn + 1
        return lax.fori_loop(0, cw, issue_j, n)

    n_issued = lax.fori_loop(0, NW, issue_w, 0)

    def drain(i, c2):
        pltpu.make_async_copy(attr_any.at[0], rows_v.at[0], sem).wait()
        return c2
    lax.fori_loop(0, n_issued, drain, 0)

    def ovf_w(w, c2):
        cw = cnt_s[w * CAP]

        @pl.when(cw > CAP)
        def _deep():
            def deep_j(j, c3):
                e = idxall_s[w * IC + j]
                pltpu.sync_copy(attr_any.at[e // 8], rowtmp_v)
                mwin = (lax.iota(jnp.int32, 8 * L) // L) == (e % 8)
                ovf_v[...] = ovf_v[...] + jnp.where(mwin, rowtmp_v[...], 0.0)
                return c3
            lax.fori_loop(CAP, jnp.minimum(cw, IC), deep_j, 0)
        return c2
    lax.fori_loop(0, NW, ovf_w, 0)

    cnt_vec = cnt2d_ref[...].astype(jnp.float32)
    slot = jax.lax.broadcasted_iota(jnp.int32, (NW * CAP, 1), 0) % CAP
    valid = slot.astype(jnp.float32) < cnt_vec
    c = (jnp.sum(cnt_vec) / CAP).reshape(1, 1)

    We_r = _bfr(We_ref[...])
    be = be_ref[...]
    We_rep = jnp.concatenate([We_r] * 8, axis=0)

    win = jax.lax.broadcasted_iota(jnp.int32, (NW * CAP, 8 * L), 1) // L
    rows16 = jnp.where(win == idx2d_ref[...] % 8, rows_v[...], 0.0)
    edges_rows = dot(_bfr(rows16), We_rep) + be
    edges_rb = _bfr(edges_rows)
    S2 = jnp.sum(jnp.where(valid, edges_rb, 0.0), axis=0, keepdims=True)

    ovf128 = ovf_v[...]
    s_ovf = sum(ovf128[p * L:(p + 1) * L] for p in range(8)).reshape(1, L)
    c_ovf = (jnp.sum(jnp.maximum(cnt_vec - CAP, 0.0)) / CAP).reshape(1, 1)
    S2 = S2 + _bfr(dot_x(s_ovf, We_r) + c_ovf * be)

    agg1 = dot_x(S2, _bfr(Wm0_ref[...])) + c * bm0_ref[...]
    agg2 = dot_x(S2, _bfr(Wm1_ref[...])) + c * bm1_ref[...]
    n0 = dot(_bfr(x0_ref[...]), _bfr(Wn_ref[...])) + bn_ref[...]
    n1 = jnp.maximum(dot(_bfr(n0 + agg1), _bfr(Wu0_ref[...])) + bu0_ref[...],
                     0.0)
    n2 = jnp.maximum(dot(_bfr(n1 + agg2), _bfr(Wu1_ref[...])) + bu1_ref[...],
                     0.0)
    h = jnp.maximum(dot_xx(n2, split3(Wc1_ref[...])) + bc1_ref[...], 0.0)
    out_ref[...] = dot_xx(h, split3(Wc2_ref[...])) + bc2_ref[...]


def kernel(x, edge_attr, receivers, Wn, bn, We, be, Wm0, bm0, Wm1, bm1,
           Wu0, bu0, Wu1, bu1, Wc1, bc1, Wc2, bc2):
    mesh = plsc.VectorSubcoreMesh(core_axis_name="c", subcore_axis_name="s",
                                  num_cores=NC, num_subcores=NS)
    E = receivers.shape[0]
    idx_full, cnt = pl.kernel(
        _sc_scan_body,
        out_type=[jax.ShapeDtypeStruct((NW, IC * L), jnp.int32),
                  jax.ShapeDtypeStruct((NW, L), jnp.int32)],
        mesh=mesh,
        scratch_types=[
            pltpu.VMEM((E // NW,), jnp.int32),
            pltpu.VMEM((IC * L,), jnp.int32),
            pltpu.VMEM((L,), jnp.int32),
            pltpu.VMEM((2 * L,), jnp.int32),
            pltpu.SMEM((1,), jnp.int32),
        ],
    )(receivers)

    idx_all = idx_full[:, ::L].reshape(NW * IC)
    idx16 = idx_full[:, :CAP * L:L].reshape(NW * CAP)
    cntfl = cnt.reshape(NW * L)
    cnt2d = cnt.reshape(NW * L, 1)

    out = pl.pallas_call(
        _head_kernel,
        in_specs=[
            pl.BlockSpec(memory_space=pltpu.SMEM),
            pl.BlockSpec(memory_space=pltpu.SMEM),
            pl.BlockSpec(memory_space=pltpu.SMEM),
            pl.BlockSpec(memory_space=pltpu.HBM),
        ] + [pl.BlockSpec(memory_space=pltpu.VMEM)] * 19,
        out_specs=pl.BlockSpec(memory_space=pltpu.VMEM),
        out_shape=jax.ShapeDtypeStruct((1, 1), jnp.float32),
        scratch_shapes=[
            pltpu.VMEM((NW * CAP, 8 * L), jnp.float32),
            pltpu.VMEM((8 * L,), jnp.float32),
            pltpu.VMEM((8 * L,), jnp.float32),
            pltpu.SemaphoreType.DMA,
        ],
    )(idx16, cntfl, idx_all, edge_attr.reshape(E // 8, 8 * 16),
      cnt2d, idx16.reshape(NW * CAP, 1), x[0:1], Wn,
      bn.reshape(1, 64),
      We, be.reshape(1, 64),
      Wm0, bm0.reshape(1, 64), Wm1, bm1.reshape(1, 64),
      Wu0, bu0.reshape(1, 64), Wu1, bu1.reshape(1, 64),
      Wc1, bc1.reshape(1, 32), Wc2, bc2.reshape(1, 1))
    return out[0, 0]

# --- scband reference (transcript-rebuilt; emitter-appended) ---
"""Pipeline reference for scband-cbfgraph-net-53678501265901 (READ-ONLY COPY).

The authoritative reference and input builder live on the scoring server;
editing this copy changes nothing except your own understanding.
"""

import jax, jax.numpy as jnp
import numpy as np

N = 10000
E = 320000
D_FEAT = 128
D_EDGE = 16
H = 64


def setup_inputs(seed: int = 0) -> dict:
    key = jax.random.key(seed)
    ks = jax.random.split(key, 24)
    inp = {}
    inp["x"] = jax.random.normal(ks[0], (N, D_FEAT), dtype=jnp.float32)
    inp["edge_attr"] = jax.random.normal(ks[1], (E, D_EDGE), dtype=jnp.float32)
    inp["receivers"] = jax.random.randint(ks[2], (E,), 0, N, dtype=jnp.int32)
    # node_encoder: Dense(D_FEAT -> H)
    inp["Wn"] = jax.random.normal(ks[3], (D_FEAT, H), dtype=jnp.float32) / np.sqrt(D_FEAT)
    inp["bn"] = jnp.zeros((H,), dtype=jnp.float32)
    # edge_encoder: Dense(D_EDGE -> H)
    inp["We"] = jax.random.normal(ks[4], (D_EDGE, H), dtype=jnp.float32) / np.sqrt(D_EDGE)
    inp["be"] = jnp.zeros((H,), dtype=jnp.float32)
    # message_nets (2 layers): Dense(H -> H)
    inp["Wm0"] = jax.random.normal(ks[5], (H, H), dtype=jnp.float32) / np.sqrt(H)
    inp["bm0"] = jnp.zeros((H,), dtype=jnp.float32)
    inp["Wm1"] = jax.random.normal(ks[6], (H, H), dtype=jnp.float32) / np.sqrt(H)
    inp["bm1"] = jnp.zeros((H,), dtype=jnp.float32)
    # update_nets (2 layers): Dense(H -> H)
    inp["Wu0"] = jax.random.normal(ks[7], (H, H), dtype=jnp.float32) / np.sqrt(H)
    inp["bu0"] = jnp.zeros((H,), dtype=jnp.float32)
    inp["Wu1"] = jax.random.normal(ks[8], (H, H), dtype=jnp.float32) / np.sqrt(H)
    inp["bu1"] = jnp.zeros((H,), dtype=jnp.float32)
    # cbf_output: Dense(H -> H//2), relu, Dense(H//2 -> 1)
    inp["Wc1"] = jax.random.normal(ks[9], (H, H // 2), dtype=jnp.float32) / np.sqrt(H)
    inp["bc1"] = jnp.zeros((H // 2,), dtype=jnp.float32)
    inp["Wc2"] = jax.random.normal(ks[10], (H // 2, 1), dtype=jnp.float32) / np.sqrt(H // 2)
    inp["bc2"] = jnp.zeros((1,), dtype=jnp.float32)
    return inp


def reference(x, edge_attr, receivers, Wn, bn, We, be, Wm0, bm0, Wm1, bm1,
              Wu0, bu0, Wu1, bu1, Wc1, bc1, Wc2, bc2):
    nodes = x @ Wn + bn
    edges = edge_attr @ We + be
    for (Wm, bm, Wu, bu) in ((Wm0, bm0, Wu0, bu0), (Wm1, bm1, Wu1, bu1)):
        messages = edges @ Wm + bm
        aggregated = jax.ops.segment_sum(messages, receivers, num_segments=N)
        nodes = jax.nn.relu((nodes + aggregated) @ Wu + bu)
    drone_features = nodes[0]
    h = jax.nn.relu(drone_features @ Wc1 + bc1)
    cbf_value = h @ Wc2 + bc2
    return jnp.squeeze(cbf_value)

if __name__ == "__main__":
    import jax
    _d = setup_inputs()
    print(jax.jit(kernel)(*tuple(_d.values())))

</pallas_src>

<mosaic_0001>
#map = affine_map<(d0, d1) -> (0)>
#map1 = affine_map<(d0, d1) -> (0, 0)>
module attributes {stable_mosaic.version = 14 : i64} {
  func.func @_sc_scan_body(%arg0: i32, %arg1: i32, %arg2: memref<320000xi32, #tpu.memory_space<hbm>>, %arg3: memref<32x2048xi32, #tpu.memory_space<hbm>>, %arg4: memref<32x16xi32, #tpu.memory_space<hbm>>, %arg5: memref<10000xi32, #tpu.memory_space<vmem>>, %arg6: memref<2048xi32, #tpu.memory_space<vmem>>, %arg7: memref<16xi32, #tpu.memory_space<vmem>>, %arg8: memref<32xi32, #tpu.memory_space<vmem>>, %arg9: memref<1xi32, #tpu.memory_space<smem>>) attributes {dimension_semantics = [#tpu.dimension_semantics<core_parallel>, #tpu.dimension_semantics<subcore_parallel>], iteration_bounds = array<i64: 2, 16>, scalar_prefetch = 0 : i64, scratch_operands = 5 : i64, tpu.core_type = #tpu.core_type<sc_vector_subcore>, window_params = [{transform_indices = #map}, {transform_indices = #map1}, {transform_indices = #map1}]} {
    %mul3A = arith.constant 2 : i32
    %mul3A_0 = arith.muli %arg1, %mul3A : i32
    %add3A = arith.addi %mul3A_0, %arg0 : i32
    %mul3A_1 = arith.constant 10000 : i32
    %mul3A_2 = arith.muli %add3A, %mul3A_1 : i32
    "tpu.region"() ({
      %run_scoped3A = tpu.sem_alloc : memref<!tpu.dma_semaphore, #tpu.memory_space<semaphore_mem>>
      %dma_start3A = tpu.memref_slice %arg2[%mul3A_2] : memref<320000xi32, #tpu.memory_space<hbm>> -> memref<10000xi32, #tpu.memory_space<hbm>>
      %dma_start3A_16 = tpu.memref_slice %arg2[%mul3A_2] : memref<320000xi32, #tpu.memory_space<hbm>> -> memref<10000xi32, #tpu.memory_space<hbm>>
      tpu.enqueue_dma source(%dma_start3A_16 : memref<10000xi32, #tpu.memory_space<hbm>>) target(%arg5 : memref<10000xi32, #tpu.memory_space<vmem>>) target_semaphore(%run_scoped3A : memref<!tpu.dma_semaphore, #tpu.memory_space<semaphore_mem>>)
      %dma_wait3A = tpu.memref_slice %arg2[%mul3A_2] : memref<320000xi32, #tpu.memory_space<hbm>> -> memref<10000xi32, #tpu.memory_space<hbm>>
      %dma_wait3A_17 = tpu.memref_slice %arg2[%mul3A_2] : memref<320000xi32, #tpu.memory_space<hbm>> -> memref<10000xi32, #tpu.memory_space<hbm>>
      tpu.wait_dma2 semaphore(%run_scoped3A : memref<!tpu.dma_semaphore, #tpu.memory_space<semaphore_mem>>) src(%dma_wait3A_17 : memref<10000xi32, #tpu.memory_space<hbm>>) dst(%arg5 : memref<10000xi32, #tpu.memory_space<vmem>>)
      tpu.yield
    }) : () -> ()
    %broadcast_in_dim3A = arith.constant 0 : i32
    %broadcast_in_dim3A_3 = vector.broadcast %broadcast_in_dim3A : i32 to vector<16xi32>
    %swap3A = arith.constant 0 : index
    %swap3A_4 = tpu.vector_load %arg7[%swap3A] {strides = array<i32>} : memref<16xi32, #tpu.memory_space<vmem>>, vector<16xi32>,
    %swap3A_5 = vector.shape_cast %swap3A_4 : vector<16xi32> to vector<16xi32>
    %swap3A_6 = vector.shape_cast %broadcast_in_dim3A_3 : vector<16xi32> to vector<16xi32>
    tpu.vector_store %arg7[%swap3A], %swap3A_6 {strides = array<i32>} : memref<16xi32, #tpu.memory_space<vmem>>, vector<16xi32>,
    %swap3A_7 = arith.constant 0 : i32
    %swap3A_8 = arith.constant 0 : i32
    %swap3A_9 = arith.index_cast %swap3A_8 : i32 to index
    %swap3A_10 = memref.load %arg9[%swap3A_9] : memref<1xi32, #tpu.memory_space<smem>>
    memref.store %swap3A_7, %arg9[%swap3A_9] : memref<1xi32, #tpu.memory_space<smem>>
    %scan3A = arith.constant 0 : i32
    %scan3A_11 = arith.constant 0 : i32
    %scan3A_12 = arith.constant 25 : i32
    %scan3A_13 = arith.addi %scan3A_11, %scan3A_12 : i32
    %scan3A_14 = arith.constant 1 : i32
    scf.for %scan3A_16 = %scan3A_11 to %scan3A_13 step %scan3A_14  : i32 {
      %mul3A_17 = arith.constant 400 : i32
      %mul3A_18 = arith.muli %scan3A_16, %mul3A_17 : i32
      %add3A_19 = arith.constant 0 : i32
      %add3A_20 = arith.addi %mul3A_18, %add3A_19 : i32
      %get3A = arith.index_cast %add3A_20 : i32 to index
      %get3A_21 = tpu.vector_load %arg5[%get3A] {strides = array<i32>} : memref<10000xi32, #tpu.memory_space<vmem>>, vector<16xi32>,
      %get3A_22 = vector.shape_cast %get3A_21 : vector<16xi32> to vector<16xi32>
      %add3A_23 = arith.constant 16 : i32
      %add3A_24 = arith.addi %mul3A_18, %add3A_23 : i32
      %get3A_25 = arith.index_cast %add3A_24 : i32 to index
      %get3A_26 = tpu.vector_load %arg5[%get3A_25] {strides = array<i32>} : memref<10000xi32, #tpu.memory_space<vmem>>, vector<16xi32>,
      %get3A_27 = vector.shape_cast %get3A_26 : vector<16xi32> to vector<16xi32>
      %add3A_28 = arith.constant 32 : i32
      %add3A_29 = arith.addi %mul3A_18, %add3A_28 : i32
      %get3A_30 = arith.index_cast %add3A_29 : i32 to index
      %get3A_31 = tpu.vector_load %arg5[%get3A_30] {strides = array<i32>} : memref<10000xi32, #tpu.memory_space<vmem>>, vector<16xi32>,
      %get3A_32 = vector.shape_cast %get3A_31 : vector<16xi32> to vector<16xi32>
      %add3A_33 = arith.constant 48 : i32
      %add3A_34 = arith.addi %mul3A_18, %add3A_33 : i32
      %get3A_35 = arith.index_cast %add3A_34 : i32 to index
      %get3A_36 = tpu.vector_load %arg5[%get3A_35] {strides = array<i32>} : memref<10000xi32, #tpu.memory_space<vmem>>, vector<16xi32>,
      %get3A_37 = vector.shape_cast %get3A_36 : vector<16xi32> to vector<16xi32>
      %add3A_38 = arith.constant 64 : i32
      %add3A_39 = arith.addi %mul3A_18, %add3A_38 : i32
      %get3A_40 = arith.index_cast %add3A_39 : i32 to index
      %get3A_41 = tpu.vector_load %arg5[%get3A_40] {strides = array<i32>} : memref<10000xi32, #tpu.memory_space<vmem>>, vector<16xi32>,
      %get3A_42 = vector.shape_cast %get3A_41 : vector<16xi32> to vector<16xi32>
      %add3A_43 = arith.constant 80 : i32
      %add3A_44 = arith.addi %mul3A_18, %add3A_43 : i32
      %get3A_45 = arith.index_cast %add3A_44 : i32 to index
      %get3A_46 = tpu.vector_load %arg5[%get3A_45] {strides = array<i32>} : memref<10000xi32, #tpu.memory_space<vmem>>, vector<16xi32>,
      %get3A_47 = vector.shape_cast %get3A_46 : vector<16xi32> to vector<16xi32>
      %add3A_48 = arith.constant 96 : i32
      %add3A_49 = arith.addi %mul3A_18, %add3A_48 : i32
      %get3A_50 = arith.index_cast %add3A_49 : i32 to index
      %get3A_51 = tpu.vector_load %arg5[%get3A_50] {strides = array<i32>} : memref<10000xi32, #tpu.memory_space<vmem>>, vector<16xi32>,
      %get3A_52 = vector.shape_cast %get3A_51 : vector<16xi32> to vector<16xi32>
      %add3A_53 = arith.constant 112 : i32
      %add3A_54 = arith.addi %mul3A_18, %add3A_53 : i32
      %get3A_55 = arith.index_cast %add3A_54 : i32 to index
      %get3A_56 = tpu.vector_load %arg5[%get3A_55] {strides = array<i32>} : memref<10000xi32, #tpu.memory_space<vmem>>, vector<16xi32>,
      %get3A_57 = vector.shape_cast %get3A_56 : vector<16xi32> to vector<16xi32>
      %add3A_58 = arith.constant 128 : i32
      %add3A_59 = arith.addi %mul3A_18, %add3A_58 : i32
      %get3A_60 = arith.index_cast %add3A_59 : i32 to index
      %get3A_61 = tpu.vector_load %arg5[%get3A_60] {strides = array<i32>} : memref<10000xi32, #tpu.memory_space<vmem>>, vector<16xi32>,
      %get3A_62 = vector.shape_cast %get3A_61 : vector<16xi32> to vector<16xi32>
      %add3A_63 = arith.constant 144 : i32
      %add3A_64 = arith.addi %mul3A_18, %add3A_63 : i32
      %get3A_65 = arith.index_cast %add3A_64 : i32 to index
      %get3A_66 = tpu.vector_load %arg5[%get3A_65] {strides = array<i32>} : memref<10000xi32, #tpu.memory_space<vmem>>, vector<16xi32>,
      %get3A_67 = vector.shape_cast %get3A_66 : vector<16xi32> to vector<16xi32>
      %add3A_68 = arith.constant 160 : i32
      %add3A_69 = arith.addi %mul3A_18, %add3A_68 : i32
      %get3A_70 = arith.index_cast %add3A_69 : i32 to index
      %get3A_71 = tpu.vector_load %arg5[%get3A_70] {strides = array<i32>} : memref<10000xi32, #tpu.memory_space<vmem>>, vector<16xi32>,
      %get3A_72 = vector.shape_cast %get3A_71 : vector<16xi32> to vector<16xi32>
      %add3A_73 = arith.constant 176 : i32
      %add3A_74 = arith.addi %mul3A_18, %add3A_73 : i32
      %get3A_75 = arith.index_cast %add3A_74 : i32 to index
      %get3A_76 = tpu.vector_load %arg5[%get3A_75] {strides = array<i32>} : memref<10000xi32, #tpu.memory_space<vmem>>, vector<16xi32>,
      %get3A_77 = vector.shape_cast %get3A_76 : vector<16xi32> to vector<16xi32>
      %add3A_78 = arith.constant 192 : i32
      %add3A_79 = arith.addi %mul3A_18, %add3A_78 : i32
      %get3A_80 = arith.index_cast %add3A_79 : i32 to index
      %get3A_81 = tpu.vector_load %arg5[%get3A_80] {strides = array<i32>} : memref<10000xi32, #tpu.memory_space<vmem>>, vector<16xi32>,
      %get3A_82 = vector.shape_cast %get3A_81 : vector<16xi32> to vector<16xi32>
      %add3A_83 = arith.constant 208 : i32
      %add3A_84 = arith.addi %mul3A_18, %add3A_83 : i32
      %get3A_85 = arith.index_cast %add3A_84 : i32 to index
      %get3A_86 = tpu.vector_load %arg5[%get3A_85] {strides = array<i32>} : memref<10000xi32, #tpu.memory_space<vmem>>, vector<16xi32>,
      %get3A_87 = vector.shape_cast %get3A_86 : vector<16xi32> to vector<16xi32>
      %add3A_88 = arith.constant 224 : i32
      %add3A_89 = arith.addi %mul3A_18, %add3A_88 : i32
      %get3A_90 = arith.index_cast %add3A_89 : i32 to index
      %get3A_91 = tpu.vector_load %arg5[%get3A_90] {strides = array<i32>} : memref<10000xi32, #tpu.memory_space<vmem>>, vector<16xi32>,
      %get3A_92 = vector.shape_cast %get3A_91 : vector<16xi32> to vector<16xi32>
      %add3A_93 = arith.constant 240 : i32
      %add3A_94 = arith.addi %mul3A_18, %add3A_93 : i32
      %get3A_95 = arith.index_cast %add3A_94 : i32 to index
      %get3A_96 = tpu.vector_load %arg5[%get3A_95] {strides = array<i32>} : memref<10000xi32, #tpu.memory_space<vmem>>, vector<16xi32>,
      %get3A_97 = vector.shape_cast %get3A_96 : vector<16xi32> to vector<16xi32>
      %add3A_98 = arith.constant 256 : i32
      %add3A_99 = arith.addi %mul3A_18, %add3A_98 : i32
      %get3A_100 = arith.index_cast %add3A_99 : i32 to index
      %get3A_101 = tpu.vector_load %arg5[%get3A_100] {strides = array<i32>} : memref<10000xi32, #tpu.memory_space<vmem>>, vector<16xi32>,
      %get3A_102 = vector.shape_cast %get3A_101 : vector<16xi32> to vector<16xi32>
      %add3A_103 = arith.constant 272 : i32
      %add3A_104 = arith.addi %mul3A_18, %add3A_103 : i32
      %get3A_105 = arith.index_cast %add3A_104 : i32 to index
      %get3A_106 = tpu.vector_load %arg5[%get3A_105] {strides = array<i32>} : memref<10000xi32, #tpu.memory_space<vmem>>, vector<16xi32>,
      %get3A_107 = vector.shape_cast %get3A_106 : vector<16xi32> to vector<16xi32>
      %add3A_108 = arith.constant 288 : i32
      %add3A_109 = arith.addi %mul3A_18, %add3A_108 : i32
      %get3A_110 = arith.index_cast %add3A_109 : i32 to index
      %get3A_111 = tpu.vector_load %arg5[%get3A_110] {strides = array<i32>} : memref<10000xi32, #tpu.memory_space<vmem>>, vector<16xi32>,
      %get3A_112 = vector.shape_cast %get3A_111 : vector<16xi32> to vector<16xi32>
      %add3A_113 = arith.constant 304 : i32
      %add3A_114 = arith.addi %mul3A_18, %add3A_113 : i32
      %get3A_115 = arith.index_cast %add3A_114 : i32 to index
      %get3A_116 = tpu.vector_load %arg5[%get3A_115] {strides = array<i32>} : memref<10000xi32, #tpu.memory_space<vmem>>, vector<16xi32>,
      %get3A_117 = vector.shape_cast %get3A_116 : vector<16xi32> to vector<16xi32>
      %add3A_118 = arith.constant 320 : i32
      %add3A_119 = arith.addi %mul3A_18, %add3A_118 : i32
      %get3A_120 = arith.index_cast %add3A_119 : i32 to index
      %get3A_121 = tpu.vector_load %arg5[%get3A_120] {strides = array<i32>} : memref<10000xi32, #tpu.memory_space<vmem>>, vector<16xi32>,
      %get3A_122 = vector.shape_cast %get3A_121 : vector<16xi32> to vector<16xi32>
      %add3A_123 = arith.constant 336 : i32
      %add3A_124 = arith.addi %mul3A_18, %add3A_123 : i32
      %get3A_125 = arith.index_cast %add3A_124 : i32 to index
      %get3A_126 = tpu.vector_load %arg5[%get3A_125] {strides = array<i32>} : memref<10000xi32, #tpu.memory_space<vmem>>, vector<16xi32>,
      %get3A_127 = vector.shape_cast %get3A_126 : vector<16xi32> to vector<16xi32>
      %add3A_128 = arith.constant 352 : i32
      %add3A_129 = arith.addi %mul3A_18, %add3A_128 : i32
      %get3A_130 = arith.index_cast %add3A_129 : i32 to index
      %get3A_131 = tpu.vector_load %arg5[%get3A_130] {strides = array<i32>} : memref<10000xi32, #tpu.memory_space<vmem>>, vector<16xi32>,
      %get3A_132 = vector.shape_cast %get3A_131 : vector<16xi32> to vector<16xi32>
      %add3A_133 = arith.constant 368 : i32
      %add3A_134 = arith.addi %mul3A_18, %add3A_133 : i32
      %get3A_135 = arith.index_cast %add3A_134 : i32 to index
      %get3A_136 = tpu.vector_load %arg5[%get3A_135] {strides = array<i32>} : memref<10000xi32, #tpu.memory_space<vmem>>, vector<16xi32>,
      %get3A_137 = vector.shape_cast %get3A_136 : vector<16xi32> to vector<16xi32>
      %add3A_138 = arith.constant 384 : i32
      %add3A_139 = arith.addi %mul3A_18, %add3A_138 : i32
      %get3A_140 = arith.index_cast %add3A_139 : i32 to index
      %get3A_141 = tpu.vector_load %arg5[%get3A_140] {strides = array<i32>} : memref<10000xi32, #tpu.memory_space<vmem>>, vector<16xi32>,
      %get3A_142 = vector.shape_cast %get3A_141 : vector<16xi32> to vector<16xi32>
      %min3A = arith.minsi %get3A_22, %get3A_27 : vector<16xi32>
      %min3A_143 = arith.minsi %get3A_32, %get3A_37 : vector<16xi32>
      %min3A_144 = arith.minsi %get3A_42, %get3A_47 : vector<16xi32>
      %min3A_145 = arith.minsi %get3A_52, %get3A_57 : vector<16xi32>
      %min3A_146 = arith.minsi %get3A_62, %get3A_67 : vector<16xi32>
      %min3A_147 = arith.minsi %get3A_72, %get3A_77 : vector<16xi32>
      %min3A_148 = arith.minsi %get3A_82, %get3A_87 : vector<16xi32>
      %min3A_149 = arith.minsi %get3A_92, %get3A_97 : vector<16xi32>
      %min3A_150 = arith.minsi %get3A_102, %get3A_107 : vector<16xi32>
      %min3A_151 = arith.minsi %get3A_112, %get3A_117 : vector<16xi32>
      %min3A_152 = arith.minsi %get3A_122, %get3A_127 : vector<16xi32>
      %min3A_153 = arith.minsi %get3A_132, %get3A_137 : vector<16xi32>
      %min3A_154 = arith.minsi %min3A, %min3A_143 : vector<16xi32>
      %min3A_155 = arith.minsi %min3A_144, %min3A_145 : vector<16xi32>
      %min3A_156 = arith.minsi %min3A_146, %min3A_147 : vector<16xi32>
      %min3A_157 = arith.minsi %min3A_148, %min3A_149 : vector<16xi32>
      %min3A_158 = arith.minsi %min3A_150, %min3A_151 : vector<16xi32>
      %min3A_159 = arith.minsi %min3A_152, %min3A_153 : vector<16xi32>
      %min3A_160 = arith.minsi %min3A_154, %min3A_155 : vector<16xi32>
      %min3A_161 = arith.minsi %min3A_156, %min3A_157 : vector<16xi32>
      %min3A_162 = arith.minsi %min3A_158, %min3A_159 : vector<16xi32>
      %min3A_163 = arith.minsi %min3A_160, %min3A_161 : vector<16xi32>
      %min3A_164 = arith.minsi %min3A_162, %get3A_142 : vector<16xi32>
      %min3A_165 = arith.minsi %min3A_163, %min3A_164 : vector<16xi32>
      %swap3A_166 = arith.constant 0 : index
      %swap3A_167 = tpu.vector_load %arg8[%swap3A_166] {strides = array<i32>} : memref<32xi32, #tpu.memory_space<vmem>>, vector<16xi32>,
      %swap3A_168 = vector.shape_cast %swap3A_167 : vector<16xi32> to vector<16xi32>
      %swap3A_169 = vector.shape_cast %min3A_165 : vector<16xi32> to vector<16xi32>
      tpu.vector_store %arg8[%swap3A_166], %swap3A_169 {strides = array<i32>} : memref<32xi32, #tpu.memory_space<vmem>>, vector<16xi32>,
      %swap3A_170 = arith.constant 16 : index
      %swap3A_171 = tpu.vector_load %arg8[%swap3A_170] {strides = array<i32>} : memref<32xi32, #tpu.memory_space<vmem>>, vector<16xi32>,
      %swap3A_172 = vector.shape_cast %swap3A_171 : vector<16xi32> to vector<16xi32>
      %swap3A_173 = vector.shape_cast %min3A_165 : vector<16xi32> to vector<16xi32>
      tpu.vector_store %arg8[%swap3A_170], %swap3A_173 {strides = array<i32>} : memref<32xi32, #tpu.memory_space<vmem>>, vector<16xi32>,
      %get3A_174 = arith.constant 8 : index
      %get3A_175 = tpu.vector_load %arg8[%get3A_174] {strides = array<i32>} : memref<32xi32, #tpu.memory_space<vmem>>, vector<16xi32>,
      %get3A_176 = vector.shape_cast %get3A_175 : vector<16xi32> to vector<16xi32>
      %min3A_177 = arith.minsi %min3A_165, %get3A_176 : vector<16xi32>
      %swap3A_178 = arith.constant 0 : index
      %swap3A_179 = tpu.vector_load %arg8[%swap3A_178] {strides = array<i32>} : memref<32xi32, #tpu.memory_space<vmem>>, vector<16xi32>,
      %swap3A_180 = vector.shape_cast %swap3A_179 : vector<16xi32> to vector<16xi32>
      %swap3A_181 = vector.shape_cast %min3A_177 : vector<16xi32> to vector<16xi32>
      tpu.vector_store %arg8[%swap3A_178], %swap3A_181 {strides = array<i32>} : memref<32xi32, #tpu.memory_space<vmem>>, vector<16xi32>,
      %swap3A_182 = arith.constant 16 : index
      %swap3A_183 = tpu.vector_load %arg8[%swap3A_182] {strides = array<i32>} : memref<32xi32, #tpu.memory_space<vmem>>, vector<16xi32>,
      %swap3A_184 = vector.shape_cast %swap3A_183 : vector<16xi32> to vector<16xi32>
      %swap3A_185 = vector.shape_cast %min3A_177 : vector<16xi32> to vector<16xi32>
      tpu.vector_store %arg8[%swap3A_182], %swap3A_185 {strides = array<i32>} : memref<32xi32, #tpu.memory_space<vmem>>, vector<16xi32>,
      %get3A_186 = arith.constant 12 : index
      %get3A_187 = tpu.vector_load %arg8[%get3A_186] {strides = array<i32>} : memref<32xi32, #tpu.memory_space<vmem>>, vector<16xi32>,
      %get3A_188 = vector.shape_cast %get3A_187 : vector<16xi32> to vector<16xi32>
      %min3A_189 = arith.minsi %min3A_177, %get3A_188 : vector<16xi32>
      %swap3A_190 = arith.constant 0 : index
      %swap3A_191 = tpu.vector_load %arg8[%swap3A_190] {strides = array<i32>} : memref<32xi32, #tpu.memory_space<vmem>>, vector<16xi32>,
      %swap3A_192 = vector.shape_cast %swap3A_191 : vector<16xi32> to vector<16xi32>
      %swap3A_193 = vector.shape_cast %min3A_189 : vector<16xi32> to vector<16xi32>
      tpu.vector_store %arg8[%swap3A_190], %swap3A_193 {strides = array<i32>} : memref<32xi32, #tpu.memory_space<vmem>>, vector<16xi32>,
      %swap3A_194 = arith.constant 16 : index
      %swap3A_195 = tpu.vector_load %arg8[%swap3A_194] {strides = array<i32>} : memref<32xi32, #tpu.memory_space<vmem>>, vector<16xi32>,
      %swap3A_196 = vector.shape_cast %swap3A_195 : vector<16xi32> to vector<16xi32>
      %swap3A_197 = vector.shape_cast %min3A_189 : vector<16xi32> to vector<16xi32>
      tpu.vector_store %arg8[%swap3A_194], %swap3A_197 {strides = array<i32>} : memref<32xi32, #tpu.memory_space<vmem>>, vector<16xi32>,
      %get3A_198 = arith.constant 14 : index
      %get3A_199 = tpu.vector_load %arg8[%get3A_198] {strides = array<i32>} : memref<32xi32, #tpu.memory_space<vmem>>, vector<16xi32>,
      %get3A_200 = vector.shape_cast %get3A_199 : vector<16xi32> to vector<16xi32>
      %min3A_201 = arith.minsi %min3A_189, %get3A_200 : vector<16xi32>
      %swap3A_202 = arith.constant 0 : index
      %swap3A_203 = tpu.vector_load %arg8[%swap3A_202] {strides = array<i32>} : memref<32xi32, #tpu.memory_space<vmem>>, vector<16xi32>,
      %swap3A_204 = vector.shape_cast %swap3A_203 : vector<16xi32> to vector<16xi32>
      %swap3A_205 = vector.shape_cast %min3A_201 : vector<16xi32> to vector<16xi32>
      tpu.vector_store %arg8[%swap3A_202], %swap3A_205 {strides = array<i32>} : memref<32xi32, #tpu.memory_space<vmem>>, vector<16xi32>,
      %swap3A_206 = arith.constant 16 : index
      %swap3A_207 = tpu.vector_load %arg8[%swap3A_206] {strides = array<i32>} : memref<32xi32, #tpu.memory_space<vmem>>, vector<16xi32>,
      %swap3A_208 = vector.shape_cast %swap3A_207 : vector<16xi32> to vector<16xi32>
      %swap3A_209 = vector.shape_cast %min3A_201 : vector<16xi32> to vector<16xi32>
      tpu.vector_store %arg8[%swap3A_206], %swap3A_209 {strides = array<i32>} : memref<32xi32, #tpu.memory_space<vmem>>, vector<16xi32>,
      %get3A_210 = arith.constant 15 : index
      %get3A_211 = tpu.vector_load %arg8[%get3A_210] {strides = array<i32>} : memref<32xi32, #tpu.memory_space<vmem>>, vector<16xi32>,
      %get3A_212 = vector.shape_cast %get3A_211 : vector<16xi32> to vector<16xi32>
      %min3A_213 = arith.minsi %min3A_201, %get3A_212 : vector<16xi32>
      %slice3A = vector.extract_strided_slice %min3A_213 {offsets = [0], sizes = [1], strides = [1]} : vector<16xi32> to vector<1xi32>
      %squeeze3A = vector.extract %slice3A[0] : i32 from vector<1xi32>
      %eq3A = arith.constant 0 : i32
      %eq3A_214 = arith.cmpi eq, %squeeze3A, %eq3A : i32
      %convert_element_type3A = arith.extui %eq3A_214 : i1 to i32
      %cond3A = arith.constant 0 : i32
      %cond3A_215 = arith.cmpi ne, %convert_element_type3A, %cond3A : i32
      scf.if %cond3A_215 {
        %scan3A_216 = arith.constant 0 : i32
        %scan3A_217 = arith.constant 0 : i32
        %scan3A_218 = arith.constant 25 : i32
        %scan3A_219 = arith.addi %scan3A_217, %scan3A_218 : i32
        %scan3A_220 = arith.constant 1 : i32
        scf.for %scan3A_222 = %scan3A_217 to %scan3A_219 step %scan3A_220  : i32 {
          %mul3A_223 = arith.constant 16 : i32
          %mul3A_224 = arith.muli %scan3A_222, %mul3A_223 : i32
          %add3A_225 = arith.addi %mul3A_18, %mul3A_224 : i32
          %get3A_226 = arith.index_cast %add3A_225 : i32 to index
          %get3A_227 = tpu.vector_load %arg5[%get3A_226] {strides = array<i32>} : memref<10000xi32, #tpu.memory_space<vmem>>, vector<16xi32>,
          %get3A_228 = vector.shape_cast %get3A_227 : vector<16xi32> to vector<16xi32>
          %swap3A_229 = arith.constant 0 : index
          %swap3A_230 = tpu.vector_load %arg8[%swap3A_229] {strides = array<i32>} : memref<32xi32, #tpu.memory_space<vmem>>, vector<16xi32>,
          %swap3A_231 = vector.shape_cast %swap3A_230 : vector<16xi32> to vector<16xi32>
          %swap3A_232 = vector.shape_cast %get3A_228 : vector<16xi32> to vector<16xi32>
          tpu.vector_store %arg8[%swap3A_229], %swap3A_232 {strides = array<i32>} : memref<32xi32, #tpu.memory_space<vmem>>, vector<16xi32>,
          %swap3A_233 = arith.constant 16 : index
          %swap3A_234 = tpu.vector_load %arg8[%swap3A_233] {strides = array<i32>} : memref<32xi32, #tpu.memory_space<vmem>>, vector<16xi32>,
          %swap3A_235 = vector.shape_cast %swap3A_234 : vector<16xi32> to vector<16xi32>
          %swap3A_236 = vector.shape_cast %get3A_228 : vector<16xi32> to vector<16xi32>
          tpu.vector_store %arg8[%swap3A_233], %swap3A_236 {strides = array<i32>} : memref<32xi32, #tpu.memory_space<vmem>>, vector<16xi32>,
          %get3A_237 = arith.constant 8 : index
          %get3A_238 = tpu.vector_load %arg8[%get3A_237] {strides = array<i32>} : memref<32xi32, #tpu.memory_space<vmem>>, vector<16xi32>,
          %get3A_239 = vector.shape_cast %get3A_238 : vector<16xi32> to vector<16xi32>
          %min3A_240 = arith.minsi %get3A_228, %get3A_239 : vector<16xi32>
          %swap3A_241 = arith.constant 0 : index
          %swap3A_242 = tpu.vector_load %arg8[%swap3A_241] {strides = array<i32>} : memref<32xi32, #tpu.memory_space<vmem>>, vector<16xi32>,
          %swap3A_243 = vector.shape_cast %swap3A_242 : vector<16xi32> to vector<16xi32>
          %swap3A_244 = vector.shape_cast %min3A_240 : vector<16xi32> to vector<16xi32>
          tpu.vector_store %arg8[%swap3A_241], %swap3A_244 {strides = array<i32>} : memref<32xi32, #tpu.memory_space<vmem>>, vector<16xi32>,
          %swap3A_245 = arith.constant 16 : index
          %swap3A_246 = tpu.vector_load %arg8[%swap3A_245] {strides = array<i32>} : memref<32xi32, #tpu.memory_space<vmem>>, vector<16xi32>,
          %swap3A_247 = vector.shape_cast %swap3A_246 : vector<16xi32> to vector<16xi32>
          %swap3A_248 = vector.shape_cast %min3A_240 : vector<16xi32> to vector<16xi32>
          tpu.vector_store %arg8[%swap3A_245], %swap3A_248 {strides = array<i32>} : memref<32xi32, #tpu.memory_space<vmem>>, vector<16xi32>,
          %get3A_249 = arith.constant 12 : index
          %get3A_250 = tpu.vector_load %arg8[%get3A_249] {strides = array<i32>} : memref<32xi32, #tpu.memory_space<vmem>>, vector<16xi32>,
          %get3A_251 = vector.shape_cast %get3A_250 : vector<16xi32> to vector<16xi32>
          %min3A_252 = arith.minsi %min3A_240, %get3A_251 : vector<16xi32>
          %swap3A_253 = arith.constant 0 : index
          %swap3A_254 = tpu.vector_load %arg8[%swap3A_253] {strides = array<i32>} : memref<32xi32, #tpu.memory_space<vmem>>, vector<16xi32>,
          %swap3A_255 = vector.shape_cast %swap3A_254 : vector<16xi32> to vector<16xi32>
          %swap3A_256 = vector.shape_cast %min3A_252 : vector<16xi32> to vector<16xi32>
          tpu.vector_store %arg8[%swap3A_253], %swap3A_256 {strides = array<i32>} : memref<32xi32, #tpu.memory_space<vmem>>, vector<16xi32>,
          %swap3A_257 = arith.constant 16 : index
          %swap3A_258 = tpu.vector_load %arg8[%swap3A_257] {strides = array<i32>} : memref<32xi32, #tpu.memory_space<vmem>>, vector<16xi32>,
          %swap3A_259 = vector.shape_cast %swap3A_258 : vector<16xi32> to vector<16xi32>
          %swap3A_260 = vector.shape_cast %min3A_252 : vector<16xi32> to vector<16xi32>
          tpu.vector_store %arg8[%swap3A_257], %swap3A_260 {strides = array<i32>} : memref<32xi32, #tpu.memory_space<vmem>>, vector<16xi32>,
          %get3A_261 = arith.constant 14 : index
          %get3A_262 = tpu.vector_load %arg8[%get3A_261] {strides = array<i32>} : memref<32xi32, #tpu.memory_space<vmem>>, vector<16xi32>,
          %get3A_263 = vector.shape_cast %get3A_262 : vector<16xi32> to vector<16xi32>
          %min3A_264 = arith.minsi %min3A_252, %get3A_263 : vector<16xi32>
          %swap3A_265 = arith.constant 0 : index
          %swap3A_266 = tpu.vector_load %arg8[%swap3A_265] {strides = array<i32>} : memref<32xi32, #tpu.memory_space<vmem>>, vector<16xi32>,
          %swap3A_267 = vector.shape_cast %swap3A_266 : vector<16xi32> to vector<16xi32>
          %swap3A_268 = vector.shape_cast %min3A_264 : vector<16xi32> to vector<16xi32>
          tpu.vector_store %arg8[%swap3A_265], %swap3A_268 {strides = array<i32>} : memref<32xi32, #tpu.memory_space<vmem>>, vector<16xi32>,
          %swap3A_269 = arith.constant 16 : index
          %swap3A_270 = tpu.vector_load %arg8[%swap3A_269] {strides = array<i32>} : memref<32xi32, #tpu.memory_space<vmem>>, vector<16xi32>,
          %swap3A_271 = vector.shape_cast %swap3A_270 : vector<16xi32> to vector<16xi32>
          %swap3A_272 = vector.shape_cast %min3A_264 : vector<16xi32> to vector<16xi32>
          tpu.vector_store %arg8[%swap3A_269], %swap3A_272 {strides = array<i32>} : memref<32xi32, #tpu.memory_space<vmem>>, vector<16xi32>,
          %get3A_273 = arith.constant 15 : index
          %get3A_274 = tpu.vector_load %arg8[%get3A_273] {strides = array<i32>} : memref<32xi32, #tpu.memory_space<vmem>>, vector<16xi32>,
          %get3A_275 = vector.shape_cast %get3A_274 : vector<16xi32> to vector<16xi32>
          %min3A_276 = arith.minsi %min3A_264, %get3A_275 : vector<16xi32>
          %slice3A_277 = vector.extract_strided_slice %min3A_276 {offsets = [0], sizes = [1], strides = [1]} : vector<16xi32> to vector<1xi32>
          %squeeze3A_278 = vector.extract %slice3A_277[0] : i32 from vector<1xi32>
          %eq3A_279 = arith.constant 0 : i32
          %eq3A_280 = arith.cmpi eq, %squeeze3A_278, %eq3A_279 : i32
          %convert_element_type3A_281 = arith.extui %eq3A_280 : i1 to i32
          %cond3A_282 = arith.constant 0 : i32
          %cond3A_283 = arith.cmpi ne, %convert_element_type3A_281, %cond3A_282 : i32
          scf.if %cond3A_283 {
            %slice3A_284 = vector.extract_strided_slice %get3A_228 {offsets = [0], sizes = [1], strides = [1]} : vector<16xi32> to vector<1xi32>
            %squeeze3A_285 = vector.extract %slice3A_284[0] : i32 from vector<1xi32>
            %eq3A_286 = arith.constant 0 : i32
            %eq3A_287 = arith.cmpi eq, %squeeze3A_285, %eq3A_286 : i32
            %convert_element_type3A_288 = arith.extui %eq3A_287 : i1 to i32
            %cond3A_289 = arith.constant 0 : i32
            %cond3A_290 = arith.cmpi ne, %convert_element_type3A_288, %cond3A_289 : i32
            scf.if %cond3A_290 {
              %get3A_396 = arith.constant 0 : i32
              %get3A_397 = arith.index_cast %get3A_396 : i32 to index
              %get3A_398 = memref.load %arg9[%get3A_397] : memref<1xi32, #tpu.memory_space<smem>>
              %lt3A = arith.constant 128 : i32
              %lt3A_399 = arith.cmpi slt, %get3A_398, %lt3A : i32
              %convert_element_type3A_400 = arith.extui %lt3A_399 : i1 to i32
              %cond3A_401 = arith.constant 0 : i32
              %cond3A_402 = arith.cmpi ne, %convert_element_type3A_400, %cond3A_401 : i32
              scf.if %cond3A_402 {
                %add3A_418 = arith.addi %mul3A_2, %add3A_225 : i32
                %add3A_419 = arith.constant 0 : i32
                %add3A_420 = arith.addi %add3A_418, %add3A_419 : i32
                %broadcast_in_dim3A_421 = vector.broadcast %add3A_420 : i32 to vector<16xi32>
                %mul3A_422 = arith.constant 16 : i32
                %mul3A_423 = arith.muli %get3A_398, %mul3A_422 : i32
                %swap3A_424 = arith.index_cast %mul3A_423 : i32 to index
                %swap3A_425 = tpu.vector_load %arg6[%swap3A_424] {strides = array<i32>} : memref<2048xi32, #tpu.memory_space<vmem>>, vector<16xi32>,
                %swap3A_426 = vector.shape_cast %swap3A_425 : vector<16xi32> to vector<16xi32>
                %swap3A_427 = vector.shape_cast %broadcast_in_dim3A_421 : vector<16xi32> to vector<16xi32>
                tpu.vector_store %arg6[%swap3A_424], %swap3A_427 {strides = array<i32>} : memref<2048xi32, #tpu.memory_space<vmem>>, vector<16xi32>,
              } else {
              }
              %add3A_403 = arith.constant 1 : i32
              %add3A_404 = arith.addi %get3A_398, %add3A_403 : i32
              %swap3A_405 = arith.constant 0 : i32
              %swap3A_406 = arith.index_cast %swap3A_405 : i32 to index
              %swap3A_407 = memref.load %arg9[%swap3A_406] : memref<1xi32, #tpu.memory_space<smem>>
              memref.store %add3A_404, %arg9[%swap3A_406] : memref<1xi32, #tpu.memory_space<smem>>
              %get3A_408 = arith.constant 0 : index
              %get3A_409 = tpu.vector_load %arg7[%get3A_408] {strides = array<i32>} : memref<16xi32, #tpu.memory_space<vmem>>, vector<16xi32>,
              %get3A_410 = vector.shape_cast %get3A_409 : vector<16xi32> to vector<16xi32>
              %add3A_411 = arith.constant 1 : i32
              %add3A_412 = vector.broadcast %add3A_411 : i32 to vector<16xi32>
              %add3A_413 = arith.addi %get3A_410, %add3A_412 : vector<16xi32>
              %swap3A_414 = arith.constant 0 : index
              %swap3A_415 = tpu.vector_load %arg7[%swap3A_414] {strides = array<i32>} : memref<16xi32, #tpu.memory_space<vmem>>, vector<16xi32>,
              %swap3A_416 = vector.shape_cast %swap3A_415 : vector<16xi32> to vector<16xi32>
              %swap3A_417 = vector.shape_cast %add3A_413 : vector<16xi32> to vector<16xi32>
              tpu.vector_store %arg7[%swap3A_414], %swap3A_417 {strides = array<i32>} : memref<16xi32, #tpu.memory_space<vmem>>, vector<16xi32>,
            } else {
            }
            %slice3A_291 = vector.extract_strided_slice %get3A_228 {offsets = [1], sizes = [1], strides = [1]} : vector<16xi32> to vector<1xi32>
            %squeeze3A_292 = vector.extract %slice3A_291[0] : i32 from vector<1xi32>
            %eq3A_293 = arith.constant 0 : i32
            %eq3A_294 = arith.cmpi eq, %squeeze3A_292, %eq3A_293 : i32
            %convert_element_type3A_295 = arith.extui %eq3A_294 : i1 to i32
            %cond3A_296 = arith.constant 0 : i32
            %cond3A_297 = arith.cmpi ne, %convert_element_type3A_295, %cond3A_296 : i32
            scf.if %cond3A_297 {
              %get3A_396 = arith.constant 0 : i32
              %get3A_397 = arith.index_cast %get3A_396 : i32 to index
              %get3A_398 = memref.load %arg9[%get3A_397] : memref<1xi32, #tpu.memory_space<smem>>
              %lt3A = arith.constant 128 : i32
              %lt3A_399 = arith.cmpi slt, %get3A_398, %lt3A : i32
              %convert_element_type3A_400 = arith.extui %lt3A_399 : i1 to i32
              %cond3A_401 = arith.constant 0 : i32
              %cond3A_402 = arith.cmpi ne, %convert_element_type3A_400, %cond3A_401 : i32
              scf.if %cond3A_402 {
                %add3A_418 = arith.addi %mul3A_2, %add3A_225 : i32
                %add3A_419 = arith.constant 1 : i32
                %add3A_420 = arith.addi %add3A_418, %add3A_419 : i32
                %broadcast_in_dim3A_421 = vector.broadcast %add3A_420 : i32 to vector<16xi32>
                %mul3A_422 = arith.constant 16 : i32
                %mul3A_423 = arith.muli %get3A_398, %mul3A_422 : i32
                %swap3A_424 = arith.index_cast %mul3A_423 : i32 to index
                %swap3A_425 = tpu.vector_load %arg6[%swap3A_424] {strides = array<i32>} : memref<2048xi32, #tpu.memory_space<vmem>>, vector<16xi32>,
                %swap3A_426 = vector.shape_cast %swap3A_425 : vector<16xi32> to vector<16xi32>
                %swap3A_427 = vector.shape_cast %broadcast_in_dim3A_421 : vector<16xi32> to vector<16xi32>
                tpu.vector_store %arg6[%swap3A_424], %swap3A_427 {strides = array<i32>} : memref<2048xi32, #tpu.memory_space<vmem>>, vector<16xi32>,
              } else {
              }
              %add3A_403 = arith.constant 1 : i32
              %add3A_404 = arith.addi %get3A_398, %add3A_403 : i32
              %swap3A_405 = arith.constant 0 : i32
              %swap3A_406 = arith.index_cast %swap3A_405 : i32 to index
              %swap3A_407 = memref.load %arg9[%swap3A_406] : memref<1xi32, #tpu.memory_space<smem>>
              memref.store %add3A_404, %arg9[%swap3A_406] : memref<1xi32, #tpu.memory_space<smem>>
              %get3A_408 = arith.constant 0 : index
              %get3A_409 = tpu.vector_load %arg7[%get3A_408] {strides = array<i32>} : memref<16xi32, #tpu.memory_space<vmem>>, vector<16xi32>,
              %get3A_410 = vector.shape_cast %get3A_409 : vector<16xi32> to vector<16xi32>
              %add3A_411 = arith.constant 1 : i32
              %add3A_412 = vector.broadcast %add3A_411 : i32 to vector<16xi32>
              %add3A_413 = arith.addi %get3A_410, %add3A_412 : vector<16xi32>
              %swap3A_414 = arith.constant 0 : index
              %swap3A_415 = tpu.vector_load %arg7[%swap3A_414] {strides = array<i32>} : memref<16xi32, #tpu.memory_space<vmem>>, vector<16xi32>,
              %swap3A_416 = vector.shape_cast %swap3A_415 : vector<16xi32> to vector<16xi32>
              %swap3A_417 = vector.shape_cast %add3A_413 : vector<16xi32> to vector<16xi32>
              tpu.vector_store %arg7[%swap3A_414], %swap3A_417 {strides = array<i32>} : memref<16xi32, #tpu.memory_space<vmem>>, vector<16xi32>,
            } else {
            }
            %slice3A_298 = vector.extract_strided_slice %get3A_228 {offsets = [2], sizes = [1], strides = [1]} : vector<16xi32> to vector<1xi32>
            %squeeze3A_299 = vector.extract %slice3A_298[0] : i32 from vector<1xi32>
            %eq3A_300 = arith.constant 0 : i32
            %eq3A_301 = arith.cmpi eq, %squeeze3A_299, %eq3A_300 : i32
            %convert_element_type3A_302 = arith.extui %eq3A_301 : i1 to i32
            %cond3A_303 = arith.constant 0 : i32
            %cond3A_304 = arith.cmpi ne, %convert_element_type3A_302, %cond3A_303 : i32
            scf.if %cond3A_304 {
              %get3A_396 = arith.constant 0 : i32
              %get3A_397 = arith.index_cast %get3A_396 : i32 to index
              %get3A_398 = memref.load %arg9[%get3A_397] : memref<1xi32, #tpu.memory_space<smem>>
              %lt3A = arith.constant 128 : i32
              %lt3A_399 = arith.cmpi slt, %get3A_398, %lt3A : i32
              %convert_element_type3A_400 = arith.extui %lt3A_399 : i1 to i32
              %cond3A_401 = arith.constant 0 : i32
              %cond3A_402 = arith.cmpi ne, %convert_element_type3A_400, %cond3A_401 : i32
              scf.if %cond3A_402 {
                %add3A_418 = arith.addi %mul3A_2, %add3A_225 : i32
                %add3A_419 = arith.constant 2 : i32
                %add3A_420 = arith.addi %add3A_418, %add3A_419 : i32
                %broadcast_in_dim3A_421 = vector.broadcast %add3A_420 : i32 to vector<16xi32>
                %mul3A_422 = arith.constant 16 : i32
                %mul3A_423 = arith.muli %get3A_398, %mul3A_422 : i32
                %swap3A_424 = arith.index_cast %mul3A_423 : i32 to index
                %swap3A_425 = tpu.vector_load %arg6[%swap3A_424] {strides = array<i32>} : memref<2048xi32, #tpu.memory_space<vmem>>, vector<16xi32>,
                %swap3A_426 = vector.shape_cast %swap3A_425 : vector<16xi32> to vector<16xi32>
                %swap3A_427 = vector.shape_cast %broadcast_in_dim3A_421 : vector<16xi32> to vector<16xi32>
                tpu.vector_store %arg6[%swap3A_424], %swap3A_427 {strides = array<i32>} : memref<2048xi32, #tpu.memory_space<vmem>>, vector<16xi32>,
              } else {
              }
              %add3A_403 = arith.constant 1 : i32
              %add3A_404 = arith.addi %get3A_398, %add3A_403 : i32
              %swap3A_405 = arith.constant 0 : i32
              %swap3A_406 = arith.index_cast %swap3A_405 : i32 to index
              %swap3A_407 = memref.load %arg9[%swap3A_406] : memref<1xi32, #tpu.memory_space<smem>>
              memref.store %add3A_404, %arg9[%swap3A_406] : memref<1xi32, #tpu.memory_space<smem>>
              %get3A_408 = arith.constant 0 : index
              %get3A_409 = tpu.vector_load %arg7[%get3A_408] {strides = array<i32>} : memref<16xi32, #tpu.memory_space<vmem>>, vector<16xi32>,
              %get3A_410 = vector.shape_cast %get3A_409 : vector<16xi32> to vector<16xi32>
              %add3A_411 = arith.constant 1 : i32
              %add3A_412 = vector.broadcast %add3A_411 : i32 to vector<16xi32>
              %add3A_413 = arith.addi %get3A_410, %add3A_412 : vector<16xi32>
              %swap3A_414 = arith.constant 0 : index
              %swap3A_415 = tpu.vector_load %arg7[%swap3A_414] {strides = array<i32>} : memref<16xi32, #tpu.memory_space<vmem>>, vector<16xi32>,
              %swap3A_416 = vector.shape_cast %swap3A_415 : vector<16xi32> to vector<16xi32>
              %swap3A_417 = vector.shape_cast %add3A_413 : vector<16xi32> to vector<16xi32>
              tpu.vector_store %arg7[%swap3A_414], %swap3A_417 {strides = array<i32>} : memref<16xi32, #tpu.memory_space<vmem>>, vector<16xi32>,
            } else {
            }
            %slice3A_305 = vector.extract_strided_slice %get3A_228 {offsets = [3], sizes = [1], strides = [1]} : vector<16xi32> to vector<1xi32>
            %squeeze3A_306 = vector.extract %slice3A_305[0] : i32 from vector<1xi32>
            %eq3A_307 = arith.constant 0 : i32
            %eq3A_308 = arith.cmpi eq, %squeeze3A_306, %eq3A_307 : i32
            %convert_element_type3A_309 = arith.extui %eq3A_308 : i1 to i32
            %cond3A_310 = arith.constant 0 : i32
            %cond3A_311 = arith.cmpi ne, %convert_element_type3A_309, %cond3A_310 : i32
            scf.if %cond3A_311 {
              %get3A_396 = arith.constant 0 : i32
              %get3A_397 = arith.index_cast %get3A_396 : i32 to index
              %get3A_398 = memref.load %arg9[%get3A_397] : memref<1xi32, #tpu.memory_space<smem>>
              %lt3A = arith.constant 128 : i32
              %lt3A_399 = arith.cmpi slt, %get3A_398, %lt3A : i32
              %convert_element_type3A_400 = arith.extui %lt3A_399 : i1 to i32
              %cond3A_401 = arith.constant 0 : i32
              %cond3A_402 = arith.cmpi ne, %convert_element_type3A_400, %cond3A_401 : i32
              scf.if %cond3A_402 {
                %add3A_418 = arith.addi %mul3A_2, %add3A_225 : i32
                %add3A_419 = arith.constant 3 : i32
                %add3A_420 = arith.addi %add3A_418, %add3A_419 : i32
                %broadcast_in_dim3A_421 = vector.broadcast %add3A_420 : i32 to vector<16xi32>
                %mul3A_422 = arith.constant 16 : i32
                %mul3A_423 = arith.muli %get3A_398, %mul3A_422 : i32
                %swap3A_424 = arith.index_cast %mul3A_423 : i32 to index
                %swap3A_425 = tpu.vector_load %arg6[%swap3A_424] {strides = array<i32>} : memref<2048xi32, #tpu.memory_space<vmem>>, vector<16xi32>,
                %swap3A_426 = vector.shape_cast %swap3A_425 : vector<16xi32> to vector<16xi32>
                %swap3A_427 = vector.shape_cast %broadcast_in_dim3A_421 : vector<16xi32> to vector<16xi32>
                tpu.vector_store %arg6[%swap3A_424], %swap3A_427 {strides = array<i32>} : memref<2048xi32, #tpu.memory_space<vmem>>, vector<16xi32>,
              } else {
              }
              %add3A_403 = arith.constant 1 : i32
              %add3A_404 = arith.addi %get3A_398, %add3A_403 : i32
              %swap3A_405 = arith.constant 0 : i32
              %swap3A_406 = arith.index_cast %swap3A_405 : i32 to index
              %swap3A_407 = memref.load %arg9[%swap3A_406] : memref<1xi32, #tpu.memory_space<smem>>
              memref.store %add3A_404, %arg9[%swap3A_406] : memref<1xi32, #tpu.memory_space<smem>>
              %get3A_408 = arith.constant 0 : index
              %get3A_409 = tpu.vector_load %arg7[%get3A_408] {strides = array<i32>} : memref<16xi32, #tpu.memory_space<vmem>>, vector<16xi32>,
              %get3A_410 = vector.shape_cast %get3A_409 : vector<16xi32> to vector<16xi32>
              %add3A_411 = arith.constant 1 : i32
              %add3A_412 = vector.broadcast %add3A_411 : i32 to vector<16xi32>
              %add3A_413 = arith.addi %get3A_410, %add3A_412 : vector<16xi32>
              %swap3A_414 = arith.constant 0 : index
              %swap3A_415 = tpu.vector_load %arg7[%swap3A_414] {strides = array<i32>} : memref<16xi32, #tpu.memory_space<vmem>>, vector<16xi32>,
              %swap3A_416 = vector.shape_cast %swap3A_415 : vector<16xi32> to vector<16xi32>
              %swap3A_417 = vector.shape_cast %add3A_413 : vector<16xi32> to vector<16xi32>
              tpu.vector_store %arg7[%swap3A_414], %swap3A_417 {strides = array<i32>} : memref<16xi32, #tpu.memory_space<vmem>>, vector<16xi32>,
            } else {
            }
            %slice3A_312 = vector.extract_strided_slice %get3A_228 {offsets = [4], sizes = [1], strides = [1]} : vector<16xi32> to vector<1xi32>
            %squeeze3A_313 = vector.extract %slice3A_312[0] : i32 from vector<1xi32>
            %eq3A_314 = arith.constant 0 : i32
            %eq3A_315 = arith.cmpi eq, %squeeze3A_313, %eq3A_314 : i32
            %convert_element_type3A_316 = arith.extui %eq3A_315 : i1 to i32
            %cond3A_317 = arith.constant 0 : i32
            %cond3A_318 = arith.cmpi ne, %convert_element_type3A_316, %cond3A_317 : i32
            scf.if %cond3A_318 {
              %get3A_396 = arith.constant 0 : i32
              %get3A_397 = arith.index_cast %get3A_396 : i32 to index
              %get3A_398 = memref.load %arg9[%get3A_397] : memref<1xi32, #tpu.memory_space<smem>>
              %lt3A = arith.constant 128 : i32
              %lt3A_399 = arith.cmpi slt, %get3A_398, %lt3A : i32
              %convert_element_type3A_400 = arith.extui %lt3A_399 : i1 to i32
              %cond3A_401 = arith.constant 0 : i32
              %cond3A_402 = arith.cmpi ne, %convert_element_type3A_400, %cond3A_401 : i32
              scf.if %cond3A_402 {
                %add3A_418 = arith.addi %mul3A_2, %add3A_225 : i32
                %add3A_419 = arith.constant 4 : i32
                %add3A_420 = arith.addi %add3A_418, %add3A_419 : i32
                %broadcast_in_dim3A_421 = vector.broadcast %add3A_420 : i32 to vector<16xi32>
                %mul3A_422 = arith.constant 16 : i32
                %mul3A_423 = arith.muli %get3A_398, %mul3A_422 : i32
                %swap3A_424 = arith.index_cast %mul3A_423 : i32 to index
                %swap3A_425 = tpu.vector_load %arg6[%swap3A_424] {strides = array<i32>} : memref<2048xi32, #tpu.memory_space<vmem>>, vector<16xi32>,
                %swap3A_426 = vector.shape_cast %swap3A_425 : vector<16xi32> to vector<16xi32>
                %swap3A_427 = vector.shape_cast %broadcast_in_dim3A_421 : vector<16xi32> to vector<16xi32>
                tpu.vector_store %arg6[%swap3A_424], %swap3A_427 {strides = array<i32>} : memref<2048xi32, #tpu.memory_space<vmem>>, vector<16xi32>,
              } else {
              }
              %add3A_403 = arith.constant 1 : i32
              %add3A_404 = arith.addi %get3A_398, %add3A_403 : i32
              %swap3A_405 = arith.constant 0 : i32
              %swap3A_406 = arith.index_cast %swap3A_405 : i32 to index
              %swap3A_407 = memref.load %arg9[%swap3A_406] : memref<1xi32, #tpu.memory_space<smem>>
              memref.store %add3A_404, %arg9[%swap3A_406] : memref<1xi32, #tpu.memory_space<smem>>
              %get3A_408 = arith.constant 0 : index
              %get3A_409 = tpu.vector_load %arg7[%get3A_408] {strides = array<i32>} : memref<16xi32, #tpu.memory_space<vmem>>, vector<16xi32>,
              %get3A_410 = vector.shape_cast %get3A_409 : vector<16xi32> to vector<16xi32>
              %add3A_411 = arith.constant 1 : i32
              %add3A_412 = vector.broadcast %add3A_411 : i32 to vector<16xi32>
              %add3A_413 = arith.addi %get3A_410, %add3A_412 : vector<16xi32>
              %swap3A_414 = arith.constant 0 : index
              %swap3A_415 = tpu.vector_load %arg7[%swap3A_414] {strides = array<i32>} : memref<16xi32, #tpu.memory_space<vmem>>, vector<16xi32>,
              %swap3A_416 = vector.shape_cast %swap3A_415 : vector<16xi32> to vector<16xi32>
              %swap3A_417 = vector.shape_cast %add3A_413 : vector<16xi32> to vector<16xi32>
              tpu.vector_store %arg7[%swap3A_414], %swap3A_417 {strides = array<i32>} : memref<16xi32, #tpu.memory_space<vmem>>, vector<16xi32>,
            } else {
            }
            %slice3A_319 = vector.extract_strided_slice %get3A_228 {offsets = [5], sizes = [1], strides = [1]} : vector<16xi32> to vector<1xi32>
            %squeeze3A_320 = vector.extract %slice3A_319[0] : i32 from vector<1xi32>
            %eq3A_321 = arith.constant 0 : i32
            %eq3A_322 = arith.cmpi eq, %squeeze3A_320, %eq3A_321 : i32
            %convert_element_type3A_323 = arith.extui %eq3A_322 : i1 to i32
            %cond3A_324 = arith.constant 0 : i32
            %cond3A_325 = arith.cmpi ne, %convert_element_type3A_323, %cond3A_324 : i32
            scf.if %cond3A_325 {
              %get3A_396 = arith.constant 0 : i32
              %get3A_397 = arith.index_cast %get3A_396 : i32 to index
              %get3A_398 = memref.load %arg9[%get3A_397] : memref<1xi32, #tpu.memory_space<smem>>
              %lt3A = arith.constant 128 : i32
              %lt3A_399 = arith.cmpi slt, %get3A_398, %lt3A : i32
              %convert_element_type3A_400 = arith.extui %lt3A_399 : i1 to i32
              %cond3A_401 = arith.constant 0 : i32
              %cond3A_402 = arith.cmpi ne, %convert_element_type3A_400, %cond3A_401 : i32
              scf.if %cond3A_402 {
                %add3A_418 = arith.addi %mul3A_2, %add3A_225 : i32
                %add3A_419 = arith.constant 5 : i32
                %add3A_420 = arith.addi %add3A_418, %add3A_419 : i32
                %broadcast_in_dim3A_421 = vector.broadcast %add3A_420 : i32 to vector<16xi32>
                %mul3A_422 = arith.constant 16 : i32
                %mul3A_423 = arith.muli %get3A_398, %mul3A_422 : i32
                %swap3A_424 = arith.index_cast %mul3A_423 : i32 to index
                %swap3A_425 = tpu.vector_load %arg6[%swap3A_424] {strides = array<i32>} : memref<2048xi32, #tpu.memory_space<vmem>>, vector<16xi32>,
                %swap3A_426 = vector.shape_cast %swap3A_425 : vector<16xi32> to vector<16xi32>
                %swap3A_427 = vector.shape_cast %broadcast_in_dim3A_421 : vector<16xi32> to vector<16xi32>
                tpu.vector_store %arg6[%swap3A_424], %swap3A_427 {strides = array<i32>} : memref<2048xi32, #tpu.memory_space<vmem>>, vector<16xi32>,
              } else {
              }
              %add3A_403 = arith.constant 1 : i32
              %add3A_404 = arith.addi %get3A_398, %add3A_403 : i32
              %swap3A_405 = arith.constant 0 : i32
              %swap3A_406 = arith.index_cast %swap3A_405 : i32 to index
              %swap3A_407 = memref.load %arg9[%swap3A_406] : memref<1xi32, #tpu.memory_space<smem>>
              memref.store %add3A_404, %arg9[%swap3A_406] : memref<1xi32, #tpu.memory_space<smem>>
              %get3A_408 = arith.constant 0 : index
              %get3A_409 = tpu.vector_load %arg7[%get3A_408] {strides = array<i32>} : memref<16xi32, #tpu.memory_space<vmem>>, vector<16xi32>,
              %get3A_410 = vector.shape_cast %get3A_409 : vector<16xi32> to vector<16xi32>
              %add3A_411 = arith.constant 1 : i32
              %add3A_412 = vector.broadcast %add3A_411 : i32 to vector<16xi32>
              %add3A_413 = arith.addi %get3A_410, %add3A_412 : vector<16xi32>
              %swap3A_414 = arith.constant 0 : index
              %swap3A_415 = tpu.vector_load %arg7[%swap3A_414] {strides = array<i32>} : memref<16xi32, #tpu.memory_space<vmem>>, vector<16xi32>,
              %swap3A_416 = vector.shape_cast %swap3A_415 : vector<16xi32> to vector<16xi32>
              %swap3A_417 = vector.shape_cast %add3A_413 : vector<16xi32> to vector<16xi32>
              tpu.vector_store %arg7[%swap3A_414], %swap3A_417 {strides = array<i32>} : memref<16xi32, #tpu.memory_space<vmem>>, vector<16xi32>,
            } else {
            }
            %slice3A_326 = vector.extract_strided_slice %get3A_228 {offsets = [6], sizes = [1], strides = [1]} : vector<16xi32> to vector<1xi32>
            %squeeze3A_327 = vector.extract %slice3A_326[0] : i32 from vector<1xi32>
            %eq3A_328 = arith.constant 0 : i32
            %eq3A_329 = arith.cmpi eq, %squeeze3A_327, %eq3A_328 : i32
            %convert_element_type3A_330 = arith.extui %eq3A_329 : i1 to i32
            %cond3A_331 = arith.constant 0 : i32
            %cond3A_332 = arith.cmpi ne, %convert_element_type3A_330, %cond3A_331 : i32
            scf.if %cond3A_332 {
              %get3A_396 = arith.constant 0 : i32
              %get3A_397 = arith.index_cast %get3A_396 : i32 to index
              %get3A_398 = memref.load %arg9[%get3A_397] : memref<1xi32, #tpu.memory_space<smem>>
              %lt3A = arith.constant 128 : i32
              %lt3A_399 = arith.cmpi slt, %get3A_398, %lt3A : i32
              %convert_element_type3A_400 = arith.extui %lt3A_399 : i1 to i32
              %cond3A_401 = arith.constant 0 : i32
              %cond3A_402 = arith.cmpi ne, %convert_element_type3A_400, %cond3A_401 : i32
              scf.if %cond3A_402 {
                %add3A_418 = arith.addi %mul3A_2, %add3A_225 : i32
                %add3A_419 = arith.constant 6 : i32
                %add3A_420 = arith.addi %add3A_418, %add3A_419 : i32
                %broadcast_in_dim3A_421 = vector.broadcast %add3A_420 : i32 to vector<16xi32>
                %mul3A_422 = arith.constant 16 : i32
                %mul3A_423 = arith.muli %get3A_398, %mul3A_422 : i32
                %swap3A_424 = arith.index_cast %mul3A_423 : i32 to index
                %swap3A_425 = tpu.vector_load %arg6[%swap3A_424] {strides = array<i32>} : memref<2048xi32, #tpu.memory_space<vmem>>, vector<16xi32>,
                %swap3A_426 = vector.shape_cast %swap3A_425 : vector<16xi32> to vector<16xi32>
                %swap3A_427 = vector.shape_cast %broadcast_in_dim3A_421 : vector<16xi32> to vector<16xi32>
                tpu.vector_store %arg6[%swap3A_424], %swap3A_427 {strides = array<i32>} : memref<2048xi32, #tpu.memory_space<vmem>>, vector<16xi32>,
              } else {
              }
              %add3A_403 = arith.constant 1 : i32
              %add3A_404 = arith.addi %get3A_398, %add3A_403 : i32
              %swap3A_405 = arith.constant 0 : i32
              %swap3A_406 = arith.index_cast %swap3A_405 : i32 to index
              %swap3A_407 = memref.load %arg9[%swap3A_406] : memref<1xi32, #tpu.memory_space<smem>>
              memref.store %add3A_404, %arg9[%swap3A_406] : memref<1xi32, #tpu.memory_space<smem>>
              %get3A_408 = arith.constant 0 : index
              %get3A_409 = tpu.vector_load %arg7[%get3A_408] {strides = array<i32>} : memref<16xi32, #tpu.memory_space<vmem>>, vector<16xi32>,
              %get3A_410 = vector.shape_cast %get3A_409 : vector<16xi32> to vector<16xi32>
              %add3A_411 = arith.constant 1 : i32
              %add3A_412 = vector.broadcast %add3A_411 : i32 to vector<16xi32>
              %add3A_413 = arith.addi %get3A_410, %add3A_412 : vector<16xi32>
              %swap3A_414 = arith.constant 0 : index
              %swap3A_415 = tpu.vector_load %arg7[%swap3A_414] {strides = array<i32>} : memref<16xi32, #tpu.memory_space<vmem>>, vector<16xi32>,
              %swap3A_416 = vector.shape_cast %swap3A_415 : vector<16xi32> to vector<16xi32>
              %swap3A_417 = vector.shape_cast %add3A_413 : vector<16xi32> to vector<16xi32>
              tpu.vector_store %arg7[%swap3A_414], %swap3A_417 {strides = array<i32>} : memref<16xi32, #tpu.memory_space<vmem>>, vector<16xi32>,
            } else {
            }
            %slice3A_333 = vector.extract_strided_slice %get3A_228 {offsets = [7], sizes = [1], strides = [1]} : vector<16xi32> to vector<1xi32>
            %squeeze3A_334 = vector.extract %slice3A_333[0] : i32 from vector<1xi32>
            %eq3A_335 = arith.constant 0 : i32
            %eq3A_336 = arith.cmpi eq, %squeeze3A_334, %eq3A_335 : i32
            %convert_element_type3A_337 = arith.extui %eq3A_336 : i1 to i32
            %cond3A_338 = arith.constant 0 : i32
            %cond3A_339 = arith.cmpi ne, %convert_element_type3A_337, %cond3A_338 : i32
            scf.if %cond3A_339 {
              %get3A_396 = arith.constant 0 : i32
              %get3A_397 = arith.index_cast %get3A_396 : i32 to index
              %get3A_398 = memref.load %arg9[%get3A_397] : memref<1xi32, #tpu.memory_space<smem>>
              %lt3A = arith.constant 128 : i32
              %lt3A_399 = arith.cmpi slt, %get3A_398, %lt3A : i32
              %convert_element_type3A_400 = arith.extui %lt3A_399 : i1 to i32
              %cond3A_401 = arith.constant 0 : i32
              %cond3A_402 = arith.cmpi ne, %convert_element_type3A_400, %cond3A_401 : i32
              scf.if %cond3A_402 {
                %add3A_418 = arith.addi %mul3A_2, %add3A_225 : i32
                %add3A_419 = arith.constant 7 : i32
                %add3A_420 = arith.addi %add3A_418, %add3A_419 : i32
                %broadcast_in_dim3A_421 = vector.broadcast %add3A_420 : i32 to vector<16xi32>
                %mul3A_422 = arith.constant 16 : i32
                %mul3A_423 = arith.muli %get3A_398, %mul3A_422 : i32
                %swap3A_424 = arith.index_cast %mul3A_423 : i32 to index
                %swap3A_425 = tpu.vector_load %arg6[%swap3A_424] {strides = array<i32>} : memref<2048xi32, #tpu.memory_space<vmem>>, vector<16xi32>,
                %swap3A_426 = vector.shape_cast %swap3A_425 : vector<16xi32> to vector<16xi32>
                %swap3A_427 = vector.shape_cast %broadcast_in_dim3A_421 : vector<16xi32> to vector<16xi32>
                tpu.vector_store %arg6[%swap3A_424], %swap3A_427 {strides = array<i32>} : memref<2048xi32, #tpu.memory_space<vmem>>, vector<16xi32>,
              } else {
              }
              %add3A_403 = arith.constant 1 : i32
              %add3A_404 = arith.addi %get3A_398, %add3A_403 : i32
              %swap3A_405 = arith.constant 0 : i32
              %swap3A_406 = arith.index_cast %swap3A_405 : i32 to index
              %swap3A_407 = memref.load %arg9[%swap3A_406] : memref<1xi32, #tpu.memory_space<smem>>
              memref.store %add3A_404, %arg9[%swap3A_406] : memref<1xi32, #tpu.memory_space<smem>>
              %get3A_408 = arith.constant 0 : index
              %get3A_409 = tpu.vector_load %arg7[%get3A_408] {strides = array<i32>} : memref<16xi32, #tpu.memory_space<vmem>>, vector<16xi32>,
              %get3A_410 = vector.shape_cast %get3A_409 : vector<16xi32> to vector<16xi32>
              %add3A_411 = arith.constant 1 : i32
              %add3A_412 = vector.broadcast %add3A_411 : i32 to vector<16xi32>
              %add3A_413 = arith.addi %get3A_410, %add3A_412 : vector<16xi32>
              %swap3A_414 = arith.constant 0 : index
              %swap3A_415 = tpu.vector_load %arg7[%swap3A_414] {strides = array<i32>} : memref<16xi32, #tpu.memory_space<vmem>>, vector<16xi32>,
              %swap3A_416 = vector.shape_cast %swap3A_415 : vector<16xi32> to vector<16xi32>
              %swap3A_417 = vector.shape_cast %add3A_413 : vector<16xi32> to vector<16xi32>
              tpu.vector_store %arg7[%swap3A_414], %swap3A_417 {strides = array<i32>} : memref<16xi32, #tpu.memory_space<vmem>>, vector<16xi32>,
            } else {
            }
            %slice3A_340 = vector.extract_strided_slice %get3A_228 {offsets = [8], sizes = [1], strides = [1]} : vector<16xi32> to vector<1xi32>
            %squeeze3A_341 = vector.extract %slice3A_340[0] : i32 from vector<1xi32>
            %eq3A_342 = arith.constant 0 : i32
            %eq3A_343 = arith.cmpi eq, %squeeze3A_341, %eq3A_342 : i32
            %convert_element_type3A_344 = arith.extui %eq3A_343 : i1 to i32
            %cond3A_345 = arith.constant 0 : i32
            %cond3A_346 = arith.cmpi ne, %convert_element_type3A_344, %cond3A_345 : i32
            scf.if %cond3A_346 {
              %get3A_396 = arith.constant 0 : i32
              %get3A_397 = arith.index_cast %get3A_396 : i32 to index
              %get3A_398 = memref.load %arg9[%get3A_397] : memref<1xi32, #tpu.memory_space<smem>>
              %lt3A = arith.constant 128 : i32
              %lt3A_399 = arith.cmpi slt, %get3A_398, %lt3A : i32
              %convert_element_type3A_400 = arith.extui %lt3A_399 : i1 to i32
              %cond3A_401 = arith.constant 0 : i32
              %cond3A_402 = arith.cmpi ne, %convert_element_type3A_400, %cond3A_401 : i32
              scf.if %cond3A_402 {
                %add3A_418 = arith.addi %mul3A_2, %add3A_225 : i32
                %add3A_419 = arith.constant 8 : i32
                %add3A_420 = arith.addi %add3A_418, %add3A_419 : i32
                %broadcast_in_dim3A_421 = vector.broadcast %add3A_420 : i32 to vector<16xi32>
                %mul3A_422 = arith.constant 16 : i32
                %mul3A_423 = arith.muli %get3A_398, %mul3A_422 : i32
                %swap3A_424 = arith.index_cast %mul3A_423 : i32 to index
                %swap3A_425 = tpu.vector_load %arg6[%swap3A_424] {strides = array<i32>} : memref<2048xi32, #tpu.memory_space<vmem>>, vector<16xi32>,
                %swap3A_426 = vector.shape_cast %swap3A_425 : vector<16xi32> to vector<16xi32>
                %swap3A_427 = vector.shape_cast %broadcast_in_dim3A_421 : vector<16xi32> to vector<16xi32>
                tpu.vector_store %arg6[%swap3A_424], %swap3A_427 {strides = array<i32>} : memref<2048xi32, #tpu.memory_space<vmem>>, vector<16xi32>,
              } else {
              }
              %add3A_403 = arith.constant 1 : i32
              %add3A_404 = arith.addi %get3A_398, %add3A_403 : i32
              %swap3A_405 = arith.constant 0 : i32
              %swap3A_406 = arith.index_cast %swap3A_405 : i32 to index
              %swap3A_407 = memref.load %arg9[%swap3A_406] : memref<1xi32, #tpu.memory_space<smem>>
              memref.store %add3A_404, %arg9[%swap3A_406] : memref<1xi32, #tpu.memory_space<smem>>
              %get3A_408 = arith.constant 0 : index
              %get3A_409 = tpu.vector_load %arg7[%get3A_408] {strides = array<i32>} : memref<16xi32, #tpu.memory_space<vmem>>, vector<16xi32>,
              %get3A_410 = vector.shape_cast %get3A_409 : vector<16xi32> to vector<16xi32>
              %add3A_411 = arith.constant 1 : i32
              %add3A_412 = vector.broadcast %add3A_411 : i32 to vector<16xi32>
              %add3A_413 = arith.addi %get3A_410, %add3A_412 : vector<16xi32>
              %swap3A_414 = arith.constant 0 : index
              %swap3A_415 = tpu.vector_load %arg7[%swap3A_414] {strides = array<i32>} : memref<16xi32, #tpu.memory_space<vmem>>, vector<16xi32>,
              %swap3A_416 = vector.shape_cast %swap3A_415 : vector<16xi32> to vector<16xi32>
              %swap3A_417 = vector.shape_cast %add3A_413 : vector<16xi32> to vector<16xi32>
              tpu.vector_store %arg7[%swap3A_414], %swap3A_417 {strides = array<i32>} : memref<16xi32, #tpu.memory_space<vmem>>, vector<16xi32>,
            } else {
            }
            %slice3A_347 = vector.extract_strided_slice %get3A_228 {offsets = [9], sizes = [1], strides = [1]} : vector<16xi32> to vector<1xi32>
            %squeeze3A_348 = vector.extract %slice3A_347[0] : i32 from vector<1xi32>
            %eq3A_349 = arith.constant 0 : i32
            %eq3A_350 = arith.cmpi eq, %squeeze3A_348, %eq3A_349 : i32
            %convert_element_type3A_351 = arith.extui %eq3A_350 : i1 to i32
            %cond3A_352 = arith.constant 0 : i32
            %cond3A_353 = arith.cmpi ne, %convert_element_type3A_351, %cond3A_352 : i32
            scf.if %cond3A_353 {
              %get3A_396 = arith.constant 0 : i32
              %get3A_397 = arith.index_cast %get3A_396 : i32 to index
              %get3A_398 = memref.load %arg9[%get3A_397] : memref<1xi32, #tpu.memory_space<smem>>
              %lt3A = arith.constant 128 : i32
              %lt3A_399 = arith.cmpi slt, %get3A_398, %lt3A : i32
              %convert_element_type3A_400 = arith.extui %lt3A_399 : i1 to i32
              %cond3A_401 = arith.constant 0 : i32
              %cond3A_402 = arith.cmpi ne, %convert_element_type3A_400, %cond3A_401 : i32
              scf.if %cond3A_402 {
                %add3A_418 = arith.addi %mul3A_2, %add3A_225 : i32
                %add3A_419 = arith.constant 9 : i32
                %add3A_420 = arith.addi %add3A_418, %add3A_419 : i32
                %broadcast_in_dim3A_421 = vector.broadcast %add3A_420 : i32 to vector<16xi32>
                %mul3A_422 = arith.constant 16 : i32
                %mul3A_423 = arith.muli %get3A_398, %mul3A_422 : i32
                %swap3A_424 = arith.index_cast %mul3A_423 : i32 to index
                %swap3A_425 = tpu.vector_load %arg6[%swap3A_424] {strides = array<i32>} : memref<2048xi32, #tpu.memory_space<vmem>>, vector<16xi32>,
                %swap3A_426 = vector.shape_cast %swap3A_425 : vector<16xi32> to vector<16xi32>
                %swap3A_427 = vector.shape_cast %broadcast_in_dim3A_421 : vector<16xi32> to vector<16xi32>
                tpu.vector_store %arg6[%swap3A_424], %swap3A_427 {strides = array<i32>} : memref<2048xi32, #tpu.memory_space<vmem>>, vector<16xi32>,
              } else {
              }
              %add3A_403 = arith.constant 1 : i32
              %add3A_404 = arith.addi %get3A_398, %add3A_403 : i32
              %swap3A_405 = arith.constant 0 : i32
              %swap3A_406 = arith.index_cast %swap3A_405 : i32 to index
              %swap3A_407 = memref.load %arg9[%swap3A_406] : memref<1xi32, #tpu.memory_space<smem>>
              memref.store %add3A_404, %arg9[%swap3A_406] : memref<1xi32, #tpu.memory_space<smem>>
              %get3A_408 = arith.constant 0 : index
              %get3A_409 = tpu.vector_load %arg7[%get3A_408] {strides = array<i32>} : memref<16xi32, #tpu.memory_space<vmem>>, vector<16xi32>,
              %get3A_410 = vector.shape_cast %get3A_409 : vector<16xi32> to vector<16xi32>
              %add3A_411 = arith.constant 1 : i32
              %add3A_412 = vector.broadcast %add3A_411 : i32 to vector<16xi32>
              %add3A_413 = arith.addi %get3A_410, %add3A_412 : vector<16xi32>
              %swap3A_414 = arith.constant 0 : index
              %swap3A_415 = tpu.vector_load %arg7[%swap3A_414] {strides = array<i32>} : memref<16xi32, #tpu.memory_space<vmem>>, vector<16xi32>,
              %swap3A_416 = vector.shape_cast %swap3A_415 : vector<16xi32> to vector<16xi32>
              %swap3A_417 = vector.shape_cast %add3A_413 : vector<16xi32> to vector<16xi32>
              tpu.vector_store %arg7[%swap3A_414], %swap3A_417 {strides = array<i32>} : memref<16xi32, #tpu.memory_space<vmem>>, vector<16xi32>,
            } else {
            }
            %slice3A_354 = vector.extract_strided_slice %get3A_228 {offsets = [10], sizes = [1], strides = [1]} : vector<16xi32> to vector<1xi32>
            %squeeze3A_355 = vector.extract %slice3A_354[0] : i32 from vector<1xi32>
            %eq3A_356 = arith.constant 0 : i32
            %eq3A_357 = arith.cmpi eq, %squeeze3A_355, %eq3A_356 : i32
            %convert_element_type3A_358 = arith.extui %eq3A_357 : i1 to i32
            %cond3A_359 = arith.constant 0 : i32
            %cond3A_360 = arith.cmpi ne, %convert_element_type3A_358, %cond3A_359 : i32
            scf.if %cond3A_360 {
              %get3A_396 = arith.constant 0 : i32
              %get3A_397 = arith.index_cast %get3A_396 : i32 to index
              %get3A_398 = memref.load %arg9[%get3A_397] : memref<1xi32, #tpu.memory_space<smem>>
              %lt3A = arith.constant 128 : i32
              %lt3A_399 = arith.cmpi slt, %get3A_398, %lt3A : i32
              %convert_element_type3A_400 = arith.extui %lt3A_399 : i1 to i32
              %cond3A_401 = arith.constant 0 : i32
              %cond3A_402 = arith.cmpi ne, %convert_element_type3A_400, %cond3A_401 : i32
              scf.if %cond3A_402 {
                %add3A_418 = arith.addi %mul3A_2, %add3A_225 : i32
                %add3A_419 = arith.constant 10 : i32
                %add3A_420 = arith.addi %add3A_418, %add3A_419 : i32
                %broadcast_in_dim3A_421 = vector.broadcast %add3A_420 : i32 to vector<16xi32>
                %mul3A_422 = arith.constant 16 : i32
                %mul3A_423 = arith.muli %get3A_398, %mul3A_422 : i32
                %swap3A_424 = arith.index_cast %mul3A_423 : i32 to index
                %swap3A_425 = tpu.vector_load %arg6[%swap3A_424] {strides = array<i32>} : memref<2048xi32, #tpu.memory_space<vmem>>, vector<16xi32>,
                %swap3A_426 = vector.shape_cast %swap3A_425 : vector<16xi32> to vector<16xi32>
                %swap3A_427 = vector.shape_cast %broadcast_in_dim3A_421 : vector<16xi32> to vector<16xi32>
                tpu.vector_store %arg6[%swap3A_424], %swap3A_427 {strides = array<i32>} : memref<2048xi32, #tpu.memory_space<vmem>>, vector<16xi32>,
              } else {
              }
              %add3A_403 = arith.constant 1 : i32
              %add3A_404 = arith.addi %get3A_398, %add3A_403 : i32
              %swap3A_405 = arith.constant 0 : i32
              %swap3A_406 = arith.index_cast %swap3A_405 : i32 to index
              %swap3A_407 = memref.load %arg9[%swap3A_406] : memref<1xi32, #tpu.memory_space<smem>>
              memref.store %add3A_404, %arg9[%swap3A_406] : memref<1xi32, #tpu.memory_space<smem>>
              %get3A_408 = arith.constant 0 : index
              %get3A_409 = tpu.vector_load %arg7[%get3A_408] {strides = array<i32>} : memref<16xi32, #tpu.memory_space<vmem>>, vector<16xi32>,
              %get3A_410 = vector.shape_cast %get3A_409 : vector<16xi32> to vector<16xi32>
              %add3A_411 = arith.constant 1 : i32
              %add3A_412 = vector.broadcast %add3A_411 : i32 to vector<16xi32>
              %add3A_413 = arith.addi %get3A_410, %add3A_412 : vector<16xi32>
              %swap3A_414 = arith.constant 0 : index
              %swap3A_415 = tpu.vector_load %arg7[%swap3A_414] {strides = array<i32>} : memref<16xi32, #tpu.memory_space<vmem>>, vector<16xi32>,
              %swap3A_416 = vector.shape_cast %swap3A_415 : vector<16xi32> to vector<16xi32>
              %swap3A_417 = vector.shape_cast %add3A_413 : vector<16xi32> to vector<16xi32>
              tpu.vector_store %arg7[%swap3A_414], %swap3A_417 {strides = array<i32>} : memref<16xi32, #tpu.memory_space<vmem>>, vector<16xi32>,
            } else {
            }
            %slice3A_361 = vector.extract_strided_slice %get3A_228 {offsets = [11], sizes = [1], strides = [1]} : vector<16xi32> to vector<1xi32>
            %squeeze3A_362 = vector.extract %slice3A_361[0] : i32 from vector<1xi32>
            %eq3A_363 = arith.constant 0 : i32
            %eq3A_364 = arith.cmpi eq, %squeeze3A_362, %eq3A_363 : i32
            %convert_element_type3A_365 = arith.extui %eq3A_364 : i1 to i32
            %cond3A_366 = arith.constant 0 : i32
            %cond3A_367 = arith.cmpi ne, %convert_element_type3A_365, %cond3A_366 : i32
            scf.if %cond3A_367 {
              %get3A_396 = arith.constant 0 : i32
              %get3A_397 = arith.index_cast %get3A_396 : i32 to index
              %get3A_398 = memref.load %arg9[%get3A_397] : memref<1xi32, #tpu.memory_space<smem>>
              %lt3A = arith.constant 128 : i32
              %lt3A_399 = arith.cmpi slt, %get3A_398, %lt3A : i32
              %convert_element_type3A_400 = arith.extui %lt3A_399 : i1 to i32
              %cond3A_401 = arith.constant 0 : i32
              %cond3A_402 = arith.cmpi ne, %convert_element_type3A_400, %cond3A_401 : i32
              scf.if %cond3A_402 {
                %add3A_418 = arith.addi %mul3A_2, %add3A_225 : i32
                %add3A_419 = arith.constant 11 : i32
                %add3A_420 = arith.addi %add3A_418, %add3A_419 : i32
                %broadcast_in_dim3A_421 = vector.broadcast %add3A_420 : i32 to vector<16xi32>
                %mul3A_422 = arith.constant 16 : i32
                %mul3A_423 = arith.muli %get3A_398, %mul3A_422 : i32
                %swap3A_424 = arith.index_cast %mul3A_423 : i32 to index
                %swap3A_425 = tpu.vector_load %arg6[%swap3A_424] {strides = array<i32>} : memref<2048xi32, #tpu.memory_space<vmem>>, vector<16xi32>,
                %swap3A_426 = vector.shape_cast %swap3A_425 : vector<16xi32> to vector<16xi32>
                %swap3A_427 = vector.shape_cast %broadcast_in_dim3A_421 : vector<16xi32> to vector<16xi32>
                tpu.vector_store %arg6[%swap3A_424], %swap3A_427 {strides = array<i32>} : memref<2048xi32, #tpu.memory_space<vmem>>, vector<16xi32>,
              } else {
              }
              %add3A_403 = arith.constant 1 : i32
              %add3A_404 = arith.addi %get3A_398, %add3A_403 : i32
              %swap3A_405 = arith.constant 0 : i32
              %swap3A_406 = arith.index_cast %swap3A_405 : i32 to index
              %swap3A_407 = memref.load %arg9[%swap3A_406] : memref<1xi32, #tpu.memory_space<smem>>
              memref.store %add3A_404, %arg9[%swap3A_406] : memref<1xi32, #tpu.memory_space<smem>>
              %get3A_408 = arith.constant 0 : index
              %get3A_409 = tpu.vector_load %arg7[%get3A_408] {strides = array<i32>} : memref<16xi32, #tpu.memory_space<vmem>>, vector<16xi32>,
              %get3A_410 = vector.shape_cast %get3A_409 : vector<16xi32> to vector<16xi32>
              %add3A_411 = arith.constant 1 : i32
              %add3A_412 = vector.broadcast %add3A_411 : i32 to vector<16xi32>
              %add3A_413 = arith.addi %get3A_410, %add3A_412 : vector<16xi32>
              %swap3A_414 = arith.constant 0 : index
              %swap3A_415 = tpu.vector_load %arg7[%swap3A_414] {strides = array<i32>} : memref<16xi32, #tpu.memory_space<vmem>>, vector<16xi32>,
              %swap3A_416 = vector.shape_cast %swap3A_415 : vector<16xi32> to vector<16xi32>
              %swap3A_417 = vector.shape_cast %add3A_413 : vector<16xi32> to vector<16xi32>
              tpu.vector_store %arg7[%swap3A_414], %swap3A_417 {strides = array<i32>} : memref<16xi32, #tpu.memory_space<vmem>>, vector<16xi32>,
            } else {
            }
            %slice3A_368 = vector.extract_strided_slice %get3A_228 {offsets = [12], sizes = [1], strides = [1]} : vector<16xi32> to vector<1xi32>
            %squeeze3A_369 = vector.extract %slice3A_368[0] : i32 from vector<1xi32>
            %eq3A_370 = arith.constant 0 : i32
            %eq3A_371 = arith.cmpi eq, %squeeze3A_369, %eq3A_370 : i32
            %convert_element_type3A_372 = arith.extui %eq3A_371 : i1 to i32
            %cond3A_373 = arith.constant 0 : i32
            %cond3A_374 = arith.cmpi ne, %convert_element_type3A_372, %cond3A_373 : i32
            scf.if %cond3A_374 {
              %get3A_396 = arith.constant 0 : i32
              %get3A_397 = arith.index_cast %get3A_396 : i32 to index
              %get3A_398 = memref.load %arg9[%get3A_397] : memref<1xi32, #tpu.memory_space<smem>>
              %lt3A = arith.constant 128 : i32
              %lt3A_399 = arith.cmpi slt, %get3A_398, %lt3A : i32
              %convert_element_type3A_400 = arith.extui %lt3A_399 : i1 to i32
              %cond3A_401 = arith.constant 0 : i32
              %cond3A_402 = arith.cmpi ne, %convert_element_type3A_400, %cond3A_401 : i32
              scf.if %cond3A_402 {
                %add3A_418 = arith.addi %mul3A_2, %add3A_225 : i32
                %add3A_419 = arith.constant 12 : i32
                %add3A_420 = arith.addi %add3A_418, %add3A_419 : i32
                %broadcast_in_dim3A_421 = vector.broadcast %add3A_420 : i32 to vector<16xi32>
                %mul3A_422 = arith.constant 16 : i32
                %mul3A_423 = arith.muli %get3A_398, %mul3A_422 : i32
                %swap3A_424 = arith.index_cast %mul3A_423 : i32 to index
                %swap3A_425 = tpu.vector_load %arg6[%swap3A_424] {strides = array<i32>} : memref<2048xi32, #tpu.memory_space<vmem>>, vector<16xi32>,
                %swap3A_426 = vector.shape_cast %swap3A_425 : vector<16xi32> to vector<16xi32>
                %swap3A_427 = vector.shape_cast %broadcast_in_dim3A_421 : vector<16xi32> to vector<16xi32>
                tpu.vector_store %arg6[%swap3A_424], %swap3A_427 {strides = array<i32>} : memref<2048xi32, #tpu.memory_space<vmem>>, vector<16xi32>,
              } else {
              }
              %add3A_403 = arith.constant 1 : i32
              %add3A_404 = arith.addi %get3A_398, %add3A_403 : i32
              %swap3A_405 = arith.constant 0 : i32
              %swap3A_406 = arith.index_cast %swap3A_405 : i32 to index
              %swap3A_407 = memref.load %arg9[%swap3A_406] : memref<1xi32, #tpu.memory_space<smem>>
              memref.store %add3A_404, %arg9[%swap3A_406] : memref<1xi32, #tpu.memory_space<smem>>
              %get3A_408 = arith.constant 0 : index
              %get3A_409 = tpu.vector_load %arg7[%get3A_408] {strides = array<i32>} : memref<16xi32, #tpu.memory_space<vmem>>, vector<16xi32>,
              %get3A_410 = vector.shape_cast %get3A_409 : vector<16xi32> to vector<16xi32>
              %add3A_411 = arith.constant 1 : i32
              %add3A_412 = vector.broadcast %add3A_411 : i32 to vector<16xi32>
              %add3A_413 = arith.addi %get3A_410, %add3A_412 : vector<16xi32>
              %swap3A_414 = arith.constant 0 : index
              %swap3A_415 = tpu.vector_load %arg7[%swap3A_414] {strides = array<i32>} : memref<16xi32, #tpu.memory_space<vmem>>, vector<16xi32>,
              %swap3A_416 = vector.shape_cast %swap3A_415 : vector<16xi32> to vector<16xi32>
              %swap3A_417 = vector.shape_cast %add3A_413 : vector<16xi32> to vector<16xi32>
              tpu.vector_store %arg7[%swap3A_414], %swap3A_417 {strides = array<i32>} : memref<16xi32, #tpu.memory_space<vmem>>, vector<16xi32>,
            } else {
            }
            %slice3A_375 = vector.extract_strided_slice %get3A_228 {offsets = [13], sizes = [1], strides = [1]} : vector<16xi32> to vector<1xi32>
            %squeeze3A_376 = vector.extract %slice3A_375[0] : i32 from vector<1xi32>
            %eq3A_377 = arith.constant 0 : i32
            %eq3A_378 = arith.cmpi eq, %squeeze3A_376, %eq3A_377 : i32
            %convert_element_type3A_379 = arith.extui %eq3A_378 : i1 to i32
            %cond3A_380 = arith.constant 0 : i32
            %cond3A_381 = arith.cmpi ne, %convert_element_type3A_379, %cond3A_380 : i32
            scf.if %cond3A_381 {
              %get3A_396 = arith.constant 0 : i32
              %get3A_397 = arith.index_cast %get3A_396 : i32 to index
              %get3A_398 = memref.load %arg9[%get3A_397] : memref<1xi32, #tpu.memory_space<smem>>
              %lt3A = arith.constant 128 : i32
              %lt3A_399 = arith.cmpi slt, %get3A_398, %lt3A : i32
              %convert_element_type3A_400 = arith.extui %lt3A_399 : i1 to i32
              %cond3A_401 = arith.constant 0 : i32
              %cond3A_402 = arith.cmpi ne, %convert_element_type3A_400, %cond3A_401 : i32
              scf.if %cond3A_402 {
                %add3A_418 = arith.addi %mul3A_2, %add3A_225 : i32
                %add3A_419 = arith.constant 13 : i32
                %add3A_420 = arith.addi %add3A_418, %add3A_419 : i32
                %broadcast_in_dim3A_421 = vector.broadcast %add3A_420 : i32 to vector<16xi32>
                %mul3A_422 = arith.constant 16 : i32
                %mul3A_423 = arith.muli %get3A_398, %mul3A_422 : i32
                %swap3A_424 = arith.index_cast %mul3A_423 : i32 to index
                %swap3A_425 = tpu.vector_load %arg6[%swap3A_424] {strides = array<i32>} : memref<2048xi32, #tpu.memory_space<vmem>>, vector<16xi32>,
                %swap3A_426 = vector.shape_cast %swap3A_425 : vector<16xi32> to vector<16xi32>
                %swap3A_427 = vector.shape_cast %broadcast_in_dim3A_421 : vector<16xi32> to vector<16xi32>
                tpu.vector_store %arg6[%swap3A_424], %swap3A_427 {strides = array<i32>} : memref<2048xi32, #tpu.memory_space<vmem>>, vector<16xi32>,
              } else {
              }
              %add3A_403 = arith.constant 1 : i32
              %add3A_404 = arith.addi %get3A_398, %add3A_403 : i32
              %swap3A_405 = arith.constant 0 : i32
              %swap3A_406 = arith.index_cast %swap3A_405 : i32 to index
              %swap3A_407 = memref.load %arg9[%swap3A_406] : memref<1xi32, #tpu.memory_space<smem>>
              memref.store %add3A_404, %arg9[%swap3A_406] : memref<1xi32, #tpu.memory_space<smem>>
              %get3A_408 = arith.constant 0 : index
              %get3A_409 = tpu.vector_load %arg7[%get3A_408] {strides = array<i32>} : memref<16xi32, #tpu.memory_space<vmem>>, vector<16xi32>,
              %get3A_410 = vector.shape_cast %get3A_409 : vector<16xi32> to vector<16xi32>
              %add3A_411 = arith.constant 1 : i32
              %add3A_412 = vector.broadcast %add3A_411 : i32 to vector<16xi32>
              %add3A_413 = arith.addi %get3A_410, %add3A_412 : vector<16xi32>
              %swap3A_414 = arith.constant 0 : index
              %swap3A_415 = tpu.vector_load %arg7[%swap3A_414] {strides = array<i32>} : memref<16xi32, #tpu.memory_space<vmem>>, vector<16xi32>,
              %swap3A_416 = vector.shape_cast %swap3A_415 : vector<16xi32> to vector<16xi32>
              %swap3A_417 = vector.shape_cast %add3A_413 : vector<16xi32> to vector<16xi32>
              tpu.vector_store %arg7[%swap3A_414], %swap3A_417 {strides = array<i32>} : memref<16xi32, #tpu.memory_space<vmem>>, vector<16xi32>,
            } else {
            }
            %slice3A_382 = vector.extract_strided_slice %get3A_228 {offsets = [14], sizes = [1], strides = [1]} : vector<16xi32> to vector<1xi32>
            %squeeze3A_383 = vector.extract %slice3A_382[0] : i32 from vector<1xi32>
            %eq3A_384 = arith.constant 0 : i32
            %eq3A_385 = arith.cmpi eq, %squeeze3A_383, %eq3A_384 : i32
            %convert_element_type3A_386 = arith.extui %eq3A_385 : i1 to i32
            %cond3A_387 = arith.constant 0 : i32
            %cond3A_388 = arith.cmpi ne, %convert_element_type3A_386, %cond3A_387 : i32
            scf.if %cond3A_388 {
              %get3A_396 = arith.constant 0 : i32
              %get3A_397 = arith.index_cast %get3A_396 : i32 to index
              %get3A_398 = memref.load %arg9[%get3A_397] : memref<1xi32, #tpu.memory_space<smem>>
              %lt3A = arith.constant 128 : i32
              %lt3A_399 = arith.cmpi slt, %get3A_398, %lt3A : i32
              %convert_element_type3A_400 = arith.extui %lt3A_399 : i1 to i32
              %cond3A_401 = arith.constant 0 : i32
              %cond3A_402 = arith.cmpi ne, %convert_element_type3A_400, %cond3A_401 : i32
              scf.if %cond3A_402 {
                %add3A_418 = arith.addi %mul3A_2, %add3A_225 : i32
                %add3A_419 = arith.constant 14 : i32
                %add3A_420 = arith.addi %add3A_418, %add3A_419 : i32
                %broadcast_in_dim3A_421 = vector.broadcast %add3A_420 : i32 to vector<16xi32>
                %mul3A_422 = arith.constant 16 : i32
                %mul3A_423 = arith.muli %get3A_398, %mul3A_422 : i32
                %swap3A_424 = arith.index_cast %mul3A_423 : i32 to index
                %swap3A_425 = tpu.vector_load %arg6[%swap3A_424] {strides = array<i32>} : memref<2048xi32, #tpu.memory_space<vmem>>, vector<16xi32>,
                %swap3A_426 = vector.shape_cast %swap3A_425 : vector<16xi32> to vector<16xi32>
                %swap3A_427 = vector.shape_cast %broadcast_in_dim3A_421 : vector<16xi32> to vector<16xi32>
                tpu.vector_store %arg6[%swap3A_424], %swap3A_427 {strides = array<i32>} : memref<2048xi32, #tpu.memory_space<vmem>>, vector<16xi32>,
              } else {
              }
              %add3A_403 = arith.constant 1 : i32
              %add3A_404 = arith.addi %get3A_398, %add3A_403 : i32
              %swap3A_405 = arith.constant 0 : i32
              %swap3A_406 = arith.index_cast %swap3A_405 : i32 to index
              %swap3A_407 = memref.load %arg9[%swap3A_406] : memref<1xi32, #tpu.memory_space<smem>>
              memref.store %add3A_404, %arg9[%swap3A_406] : memref<1xi32, #tpu.memory_space<smem>>
              %get3A_408 = arith.constant 0 : index
              %get3A_409 = tpu.vector_load %arg7[%get3A_408] {strides = array<i32>} : memref<16xi32, #tpu.memory_space<vmem>>, vector<16xi32>,
              %get3A_410 = vector.shape_cast %get3A_409 : vector<16xi32> to vector<16xi32>
              %add3A_411 = arith.constant 1 : i32
              %add3A_412 = vector.broadcast %add3A_411 : i32 to vector<16xi32>
              %add3A_413 = arith.addi %get3A_410, %add3A_412 : vector<16xi32>
              %swap3A_414 = arith.constant 0 : index
              %swap3A_415 = tpu.vector_load %arg7[%swap3A_414] {strides = array<i32>} : memref<16xi32, #tpu.memory_space<vmem>>, vector<16xi32>,
              %swap3A_416 = vector.shape_cast %swap3A_415 : vector<16xi32> to vector<16xi32>
              %swap3A_417 = vector.shape_cast %add3A_413 : vector<16xi32> to vector<16xi32>
              tpu.vector_store %arg7[%swap3A_414], %swap3A_417 {strides = array<i32>} : memref<16xi32, #tpu.memory_space<vmem>>, vector<16xi32>,
            } else {
            }
            %slice3A_389 = vector.extract_strided_slice %get3A_228 {offsets = [15], sizes = [1], strides = [1]} : vector<16xi32> to vector<1xi32>
            %squeeze3A_390 = vector.extract %slice3A_389[0] : i32 from vector<1xi32>
            %eq3A_391 = arith.constant 0 : i32
            %eq3A_392 = arith.cmpi eq, %squeeze3A_390, %eq3A_391 : i32
            %convert_element_type3A_393 = arith.extui %eq3A_392 : i1 to i32
            %cond3A_394 = arith.constant 0 : i32
            %cond3A_395 = arith.cmpi ne, %convert_element_type3A_393, %cond3A_394 : i32
            scf.if %cond3A_395 {
              %get3A_396 = arith.constant 0 : i32
              %get3A_397 = arith.index_cast %get3A_396 : i32 to index
              %get3A_398 = memref.load %arg9[%get3A_397] : memref<1xi32, #tpu.memory_space<smem>>
              %lt3A = arith.constant 128 : i32
              %lt3A_399 = arith.cmpi slt, %get3A_398, %lt3A : i32
              %convert_element_type3A_400 = arith.extui %lt3A_399 : i1 to i32
              %cond3A_401 = arith.constant 0 : i32
              %cond3A_402 = arith.cmpi ne, %convert_element_type3A_400, %cond3A_401 : i32
              scf.if %cond3A_402 {
                %add3A_418 = arith.addi %mul3A_2, %add3A_225 : i32
                %add3A_419 = arith.constant 15 : i32
                %add3A_420 = arith.addi %add3A_418, %add3A_419 : i32
                %broadcast_in_dim3A_421 = vector.broadcast %add3A_420 : i32 to vector<16xi32>
                %mul3A_422 = arith.constant 16 : i32
                %mul3A_423 = arith.muli %get3A_398, %mul3A_422 : i32
                %swap3A_424 = arith.index_cast %mul3A_423 : i32 to index
                %swap3A_425 = tpu.vector_load %arg6[%swap3A_424] {strides = array<i32>} : memref<2048xi32, #tpu.memory_space<vmem>>, vector<16xi32>,
                %swap3A_426 = vector.shape_cast %swap3A_425 : vector<16xi32> to vector<16xi32>
                %swap3A_427 = vector.shape_cast %broadcast_in_dim3A_421 : vector<16xi32> to vector<16xi32>
                tpu.vector_store %arg6[%swap3A_424], %swap3A_427 {strides = array<i32>} : memref<2048xi32, #tpu.memory_space<vmem>>, vector<16xi32>,
              } else {
              }
              %add3A_403 = arith.constant 1 : i32
              %add3A_404 = arith.addi %get3A_398, %add3A_403 : i32
              %swap3A_405 = arith.constant 0 : i32
              %swap3A_406 = arith.index_cast %swap3A_405 : i32 to index
              %swap3A_407 = memref.load %arg9[%swap3A_406] : memref<1xi32, #tpu.memory_space<smem>>
              memref.store %add3A_404, %arg9[%swap3A_406] : memref<1xi32, #tpu.memory_space<smem>>
              %get3A_408 = arith.constant 0 : index
              %get3A_409 = tpu.vector_load %arg7[%get3A_408] {strides = array<i32>} : memref<16xi32, #tpu.memory_space<vmem>>, vector<16xi32>,
              %get3A_410 = vector.shape_cast %get3A_409 : vector<16xi32> to vector<16xi32>
              %add3A_411 = arith.constant 1 : i32
              %add3A_412 = vector.broadcast %add3A_411 : i32 to vector<16xi32>
              %add3A_413 = arith.addi %get3A_410, %add3A_412 : vector<16xi32>
              %swap3A_414 = arith.constant 0 : index
              %swap3A_415 = tpu.vector_load %arg7[%swap3A_414] {strides = array<i32>} : memref<16xi32, #tpu.memory_space<vmem>>, vector<16xi32>,
              %swap3A_416 = vector.shape_cast %swap3A_415 : vector<16xi32> to vector<16xi32>
              %swap3A_417 = vector.shape_cast %add3A_413 : vector<16xi32> to vector<16xi32>
              tpu.vector_store %arg7[%swap3A_414], %swap3A_417 {strides = array<i32>} : memref<16xi32, #tpu.memory_space<vmem>>, vector<16xi32>,
            } else {
            }
          } else {
          }
        }
        %scan3A_221 = arith.constant 25 : i32
      } else {
      }
    }
    %scan3A_15 = arith.constant 25 : i32
    "tpu.region"() ({
      %run_scoped3A = tpu.sem_alloc : memref<!tpu.dma_semaphore, #tpu.memory_space<semaphore_mem>>
      %dma_start3A = arith.constant 0 : i32
      %dma_start3A_16 = tpu.memref_slice %arg3[%add3A, %dma_start3A] : memref<32x2048xi32, #tpu.memory_space<hbm>> -> memref<1x2048xi32, #tpu.memory_space<hbm>>
      %dma_start3A_17 = tpu.memref_squeeze %dma_start3A_16 : memref<1x2048xi32, #tpu.memory_space<hbm>> -> memref<2048xi32, #tpu.memory_space<hbm>>
      %dma_start3A_18 = arith.constant 0 : i32
      %dma_start3A_19 = tpu.memref_slice %arg3[%add3A, %dma_start3A_18] : memref<32x2048xi32, #tpu.memory_space<hbm>> -> memref<1x2048xi32, #tpu.memory_space<hbm>>
      %dma_start3A_20 = tpu.memref_squeeze %dma_start3A_19 : memref<1x2048xi32, #tpu.memory_space<hbm>> -> memref<2048xi32, #tpu.memory_space<hbm>>
      tpu.enqueue_dma source(%arg6 : memref<2048xi32, #tpu.memory_space<vmem>>) target(%dma_start3A_20 : memref<2048xi32, #tpu.memory_space<hbm>>) target_semaphore(%run_scoped3A : memref<!tpu.dma_semaphore, #tpu.memory_space<semaphore_mem>>)
      %dma_wait3A = arith.constant 0 : i32
      %dma_wait3A_21 = tpu.memref_slice %arg3[%add3A, %dma_wait3A] : memref<32x2048xi32, #tpu.memory_space<hbm>> -> memref<1x2048xi32, #tpu.memory_space<hbm>>
      %dma_wait3A_22 = tpu.memref_squeeze %dma_wait3A_21 : memref<1x2048xi32, #tpu.memory_space<hbm>> -> memref<2048xi32, #tpu.memory_space<hbm>>
      %dma_wait3A_23 = arith.constant 0 : i32
      %dma_wait3A_24 = tpu.memref_slice %arg3[%add3A, %dma_wait3A_23] : memref<32x2048xi32, #tpu.memory_space<hbm>> -> memref<1x2048xi32, #tpu.memory_space<hbm>>
      %dma_wait3A_25 = tpu.memref_squeeze %dma_wait3A_24 : memref<1x2048xi32, #tpu.memory_space<hbm>> -> memref<2048xi32, #tpu.memory_space<hbm>>
      tpu.wait_dma2 semaphore(%run_scoped3A : memref<!tpu.dma_semaphore, #tpu.memory_space<semaphore_mem>>) src(%arg6 : memref<2048xi32, #tpu.memory_space<vmem>>) dst(%dma_wait3A_25 : memref<2048xi32, #tpu.memory_space<hbm>>)
      tpu.yield
    }) : () -> ()
    "tpu.region"() ({
      %run_scoped3A = tpu.sem_alloc : memref<!tpu.dma_semaphore, #tpu.memory_space<semaphore_mem>>
      %dma_start3A = arith.constant 0 : i32
      %dma_start3A_16 = tpu.memref_slice %arg4[%add3A, %dma_start3A] : memref<32x16xi32, #tpu.memory_space<hbm>> -> memref<1x16xi32, #tpu.memory_space<hbm>>
      %dma_start3A_17 = tpu.memref_squeeze %dma_start3A_16 : memref<1x16xi32, #tpu.memory_space<hbm>> -> memref<16xi32, #tpu.memory_space<hbm>>
      %dma_start3A_18 = arith.constant 0 : i32
      %dma_start3A_19 = tpu.memref_slice %arg4[%add3A, %dma_start3A_18] : memref<32x16xi32, #tpu.memory_space<hbm>> -> memref<1x16xi32, #tpu.memory_space<hbm>>
      %dma_start3A_20 = tpu.memref_squeeze %dma_start3A_19 : memref<1x16xi32, #tpu.memory_space<hbm>> -> memref<16xi32, #tpu.memory_space<hbm>>
      tpu.enqueue_dma source(%arg7 : memref<16xi32, #tpu.memory_space<vmem>>) target(%dma_start3A_20 : memref<16xi32, #tpu.memory_space<hbm>>) target_semaphore(%run_scoped3A : memref<!tpu.dma_semaphore, #tpu.memory_space<semaphore_mem>>)
      %dma_wait3A = arith.constant 0 : i32
      %dma_wait3A_21 = tpu.memref_slice %arg4[%add3A, %dma_wait3A] : memref<32x16xi32, #tpu.memory_space<hbm>> -> memref<1x16xi32, #tpu.memory_space<hbm>>
      %dma_wait3A_22 = tpu.memref_squeeze %dma_wait3A_21 : memref<1x16xi32, #tpu.memory_space<hbm>> -> memref<16xi32, #tpu.memory_space<hbm>>
      %dma_wait3A_23 = arith.constant 0 : i32
      %dma_wait3A_24 = tpu.memref_slice %arg4[%add3A, %dma_wait3A_23] : memref<32x16xi32, #tpu.memory_space<hbm>> -> memref<1x16xi32, #tpu.memory_space<hbm>>
      %dma_wait3A_25 = tpu.memref_squeeze %dma_wait3A_24 : memref<1x16xi32, #tpu.memory_space<hbm>> -> memref<16xi32, #tpu.memory_space<hbm>>
      tpu.wait_dma2 semaphore(%run_scoped3A : memref<!tpu.dma_semaphore, #tpu.memory_space<semaphore_mem>>) src(%arg7 : memref<16xi32, #tpu.memory_space<vmem>>) dst(%dma_wait3A_25 : memref<16xi32, #tpu.memory_space<hbm>>)
      tpu.yield
    }) : () -> ()
    return
  }
}

module attributes {stable_mosaic.version = 14 : i64} {
  func.func @_head_kernel(%arg0: memref<512xi32, #tpu.memory_space<smem>>, %arg1: memref<512xi32, #tpu.memory_space<smem>>, %arg2: memref<4096xi32, #tpu.memory_space<smem>>, %arg3: memref<40000x128xf32, #tpu.memory_space<hbm>>, %arg4: memref<512x1xi32, #tpu.memory_space<vmem>>, %arg5: memref<512x1xi32, #tpu.memory_space<vmem>>, %arg6: memref<1x128xf32, #tpu.memory_space<vmem>>, %arg7: memref<128x64xf32, #tpu.memory_space<vmem>>, %arg8: memref<1x64xf32, #tpu.memory_space<vmem>>, %arg9: memref<16x64xf32, #tpu.memory_space<vmem>>, %arg10: memref<1x64xf32, #tpu.memory_space<vmem>>, %arg11: memref<64x64xf32, #tpu.memory_space<vmem>>, %arg12: memref<1x64xf32, #tpu.memory_space<vmem>>, %arg13: memref<64x64xf32, #tpu.memory_space<vmem>>, %arg14: memref<1x64xf32, #tpu.memory_space<vmem>>, %arg15: memref<64x64xf32, #tpu.memory_space<vmem>>, %arg16: memref<1x64xf32, #tpu.memory_space<vmem>>, %arg17: memref<64x64xf32, #tpu.memory_space<vmem>>, %arg18: memref<1x64xf32, #tpu.memory_space<vmem>>, %arg19: memref<64x32xf32, #tpu.memory_space<vmem>>, %arg20: memref<1x32xf32, #tpu.memory_space<vmem>>, %arg21: memref<32x1xf32, #tpu.memory_space<vmem>>, %arg22: memref<1x1xf32, #tpu.memory_space<vmem>>, %arg23: memref<1x1xf32, #tpu.memory_space<vmem>>, %arg24: memref<512x128xf32, #tpu.memory_space<vmem>>, %arg25: memref<128xf32, #tpu.memory_space<vmem>>, %arg26: memref<128xf32, #tpu.memory_space<vmem>>, %arg27: memref<!tpu.dma_semaphore, #tpu.memory_space<semaphore_mem>>) attributes {dimension_semantics = [], scalar_prefetch = 0 : i64, scratch_operands = 4 : i64, tpu.core_type = #tpu.core_type<tc>} {
    %broadcast_in_dim3A = arith.constant 0.000000e+00 : f32
    %broadcast_in_dim3A_0 = vector.broadcast %broadcast_in_dim3A : f32 to vector<512x128xf32>
    %swap3A = arith.constant 0 : index
    %swap3A_1 = arith.constant 0 : index
    %swap3A_2 = vector.load %arg24[%swap3A, %swap3A_1] : memref<512x128xf32, #tpu.memory_space<vmem>>, vector<512x128xf32>
    tpu.vector_store %arg24[%swap3A, %swap3A_1], %broadcast_in_dim3A_0 {strides = array<i32>} : memref<512x128xf32, #tpu.memory_space<vmem>>, vector<512x128xf32>,
    %broadcast_in_dim3A_3 = arith.constant 0.000000e+00 : f32
    %broadcast_in_dim3A_4 = vector.broadcast %broadcast_in_dim3A_3 : f32 to vector<128xf32>
    %swap3A_5 = arith.constant 0 : index
    %swap3A_6 = vector.load %arg26[%swap3A_5] : memref<128xf32, #tpu.memory_space<vmem>>, vector<128xf32>
    tpu.vector_store %arg26[%swap3A_5], %broadcast_in_dim3A_4 {strides = array<i32>} : memref<128xf32, #tpu.memory_space<vmem>>, vector<128xf32>,
    %scan3A = arith.constant 0 : i32
    %scan3A_7 = arith.constant 0 : i32
    %scan3A_8 = arith.constant 32 : i32
    %scan3A_9 = arith.addi %scan3A_7, %scan3A_8 : i32
    %scan3A_10 = arith.constant 1 : i32
    %scan3A_11 = scf.for %scan3A_405 = %scan3A_7 to %scan3A_9 step %scan3A_10 iter_args(%scan3A_406 = %scan3A) -> (i32)  : i32 {
      %mul3A_407 = arith.constant 16 : i32
      %mul3A_408 = arith.muli %scan3A_405, %mul3A_407 : i32
      %get3A_409 = arith.index_cast %mul3A_408 : i32 to index
      %get3A_410 = memref.load %arg1[%get3A_409] : memref<512xi32, #tpu.memory_space<smem>>
      %min3A = arith.constant 16 : i32
      %min3A_411 = arith.minsi %get3A_410, %min3A : i32
      %while3A_412 = arith.constant 0 : i32
      %while3A_413 = arith.subi %min3A_411, %while3A_412 : i32
      %while3A_414 = arith.addi %while3A_412, %while3A_413 : i32
      %while3A_415 = arith.constant 1 : i32
      %while3A_416 = arith.divsi %while3A_413, %while3A_415 : i32
      %while3A_417 = arith.muli %while3A_416, %while3A_415 : i32
      %while3A_418 = arith.addi %while3A_412, %while3A_417 : i32
      %while3A_419 = arith.constant 1 : i32
      %while3A_420 = scf.for %while3A_423 = %while3A_412 to %while3A_418 step %while3A_419 iter_args(%while3A_424 = %scan3A_406) -> (i32)  : i32 {
        %mul3A_425 = arith.constant 16 : i32
        %mul3A_426 = arith.muli %scan3A_405, %mul3A_425 : i32
        %add3A_427 = arith.addi %mul3A_426, %while3A_423 : i32
        %get3A_428 = arith.index_cast %add3A_427 : i32 to index
        %get3A_429 = memref.load %arg0[%get3A_428] : memref<512xi32, #tpu.memory_space<smem>>
        %jit3A_430 = arith.constant 8 : i32
        %div3A_431 = arith.divsi %get3A_429, %jit3A_430 : i32
        %sign3A_432 = arith.constant 0 : i32
        %sign3A_433 = arith.cmpi sgt, %get3A_429, %sign3A_432 : i32
        %sign3A_434 = arith.extui %sign3A_433 : i1 to i32
        %sign3A_435 = arith.constant 0 : i32
        %sign3A_436 = arith.cmpi slt, %get3A_429, %sign3A_435 : i32
        %sign3A_437 = arith.extui %sign3A_436 : i1 to i32
        %sign3A_438 = arith.subi %sign3A_434, %sign3A_437 : i32
        %sign3A_439 = arith.constant 0 : i32
        %sign3A_440 = arith.cmpi sgt, %jit3A_430, %sign3A_439 : i32
        %sign3A_441 = arith.extui %sign3A_440 : i1 to i32
        %sign3A_442 = arith.constant 0 : i32
        %sign3A_443 = arith.cmpi slt, %jit3A_430, %sign3A_442 : i32
        %sign3A_444 = arith.extui %sign3A_443 : i1 to i32
        %sign3A_445 = arith.subi %sign3A_441, %sign3A_444 : i32
        %ne3A_446 = arith.cmpi ne, %sign3A_438, %sign3A_445 : i32
        %rem3A_447 = arith.remsi %get3A_429, %jit3A_430 : i32
        %ne3A_448 = arith.constant 0 : i32
        %ne3A_449 = arith.cmpi ne, %rem3A_447, %ne3A_448 : i32
        %and3A_450 = arith.andi %ne3A_446, %ne3A_449 : i1
        %sub3A_451 = arith.constant 1 : i32
        %sub3A_452 = arith.subi %div3A_431, %sub3A_451 : i32
        %select_n3A_453 = arith.select %and3A_450, %sub3A_452, %div3A_431 : i32
        %dma_start3A = arith.constant 0 : i32
        %dma_start3A_454 = tpu.memref_slice %arg24[%add3A_427, %dma_start3A] : memref<512x128xf32, #tpu.memory_space<vmem>> -> memref<1x128xf32, #tpu.memory_space<vmem>>
        %dma_start3A_455 = tpu.memref_squeeze %dma_start3A_454 : memref<1x128xf32, #tpu.memory_space<vmem>> -> memref<128xf32, #tpu.memory_space<vmem>>
        %dma_start3A_456 = arith.constant 0 : i32
        %dma_start3A_457 = tpu.memref_slice %arg3[%select_n3A_453, %dma_start3A_456] : memref<40000x128xf32, #tpu.memory_space<hbm>> -> memref<1x128xf32, #tpu.memory_space<hbm>>
        %dma_start3A_458 = tpu.memref_squeeze %dma_start3A_457 : memref<1x128xf32, #tpu.memory_space<hbm>> -> memref<128xf32, #tpu.memory_space<hbm>>
        tpu.enqueue_dma source(%dma_start3A_458 : memref<128xf32, #tpu.memory_space<hbm>>) target(%dma_start3A_455 : memref<128xf32, #tpu.memory_space<vmem>>) target_semaphore(%arg27 : memref<!tpu.dma_semaphore, #tpu.memory_space<semaphore_mem>>)
        %add3A_459 = arith.constant 1 : i32
        %add3A_460 = arith.addi %while3A_424, %add3A_459 : i32
        scf.yield %add3A_460 : i32
      }
      %while3A_421 = arith.constant 1 : i32
      %while3A_422 = scf.for %while3A_423 = %while3A_418 to %while3A_414 step %while3A_421 iter_args(%while3A_424 = %while3A_420) -> (i32)  : i32 {
        %mul3A_425 = arith.constant 16 : i32
        %mul3A_426 = arith.muli %scan3A_405, %mul3A_425 : i32
        %add3A_427 = arith.addi %mul3A_426, %while3A_423 : i32
        %get3A_428 = arith.index_cast %add3A_427 : i32 to index
        %get3A_429 = memref.load %arg0[%get3A_428] : memref<512xi32, #tpu.memory_space<smem>>
        %jit3A_430 = arith.constant 8 : i32
        %div3A_431 = arith.divsi %get3A_429, %jit3A_430 : i32
        %sign3A_432 = arith.constant 0 : i32
        %sign3A_433 = arith.cmpi sgt, %get3A_429, %sign3A_432 : i32
        %sign3A_434 = arith.extui %sign3A_433 : i1 to i32
        %sign3A_435 = arith.constant 0 : i32
        %sign3A_436 = arith.cmpi slt, %get3A_429, %sign3A_435 : i32
        %sign3A_437 = arith.extui %sign3A_436 : i1 to i32
        %sign3A_438 = arith.subi %sign3A_434, %sign3A_437 : i32
        %sign3A_439 = arith.constant 0 : i32
        %sign3A_440 = arith.cmpi sgt, %jit3A_430, %sign3A_439 : i32
        %sign3A_441 = arith.extui %sign3A_440 : i1 to i32
        %sign3A_442 = arith.constant 0 : i32
        %sign3A_443 = arith.cmpi slt, %jit3A_430, %sign3A_442 : i32
        %sign3A_444 = arith.extui %sign3A_443 : i1 to i32
        %sign3A_445 = arith.subi %sign3A_441, %sign3A_444 : i32
        %ne3A_446 = arith.cmpi ne, %sign3A_438, %sign3A_445 : i32
        %rem3A_447 = arith.remsi %get3A_429, %jit3A_430 : i32
        %ne3A_448 = arith.constant 0 : i32
        %ne3A_449 = arith.cmpi ne, %rem3A_447, %ne3A_448 : i32
        %and3A_450 = arith.andi %ne3A_446, %ne3A_449 : i1
        %sub3A_451 = arith.constant 1 : i32
        %sub3A_452 = arith.subi %div3A_431, %sub3A_451 : i32
        %select_n3A_453 = arith.select %and3A_450, %sub3A_452, %div3A_431 : i32
        %dma_start3A = arith.constant 0 : i32
        %dma_start3A_454 = tpu.memref_slice %arg24[%add3A_427, %dma_start3A] : memref<512x128xf32, #tpu.memory_space<vmem>> -> memref<1x128xf32, #tpu.memory_space<vmem>>
        %dma_start3A_455 = tpu.memref_squeeze %dma_start3A_454 : memref<1x128xf32, #tpu.memory_space<vmem>> -> memref<128xf32, #tpu.memory_space<vmem>>
        %dma_start3A_456 = arith.constant 0 : i32
        %dma_start3A_457 = tpu.memref_slice %arg3[%select_n3A_453, %dma_start3A_456] : memref<40000x128xf32, #tpu.memory_space<hbm>> -> memref<1x128xf32, #tpu.memory_space<hbm>>
        %dma_start3A_458 = tpu.memref_squeeze %dma_start3A_457 : memref<1x128xf32, #tpu.memory_space<hbm>> -> memref<128xf32, #tpu.memory_space<hbm>>
        tpu.enqueue_dma source(%dma_start3A_458 : memref<128xf32, #tpu.memory_space<hbm>>) target(%dma_start3A_455 : memref<128xf32, #tpu.memory_space<vmem>>) target_semaphore(%arg27 : memref<!tpu.dma_semaphore, #tpu.memory_space<semaphore_mem>>)
        %add3A_459 = arith.constant 1 : i32
        %add3A_460 = arith.addi %while3A_424, %add3A_459 : i32
        scf.yield %add3A_460 : i32
      }
      scf.yield %while3A_422 : i32
    }
    %scan3A_12 = arith.constant 32 : i32
    %while3A = arith.constant 0 : i32
    %while3A_13 = arith.constant 0 : i32
    %while3A_14 = arith.subi %scan3A_11, %while3A_13 : i32
    %while3A_15 = arith.addi %while3A_13, %while3A_14 : i32
    %while3A_16 = arith.constant 1 : i32
    %while3A_17 = arith.divsi %while3A_14, %while3A_16 : i32
    %while3A_18 = arith.muli %while3A_17, %while3A_16 : i32
    %while3A_19 = arith.addi %while3A_13, %while3A_18 : i32
    %while3A_20 = arith.constant 1 : i32
    scf.for %while3A_405 = %while3A_13 to %while3A_19 step %while3A_20  : i32 {
      %dma_wait3A = arith.constant 0 : i32
      %dma_wait3A_406 = arith.constant 0 : i32
      %dma_wait3A_407 = arith.constant 0 : i32
      %dma_wait3A_408 = tpu.memref_slice %arg24[%dma_wait3A_406, %dma_wait3A_407] : memref<512x128xf32, #tpu.memory_space<vmem>> -> memref<1x128xf32, #tpu.memory_space<vmem>>
      %dma_wait3A_409 = tpu.memref_squeeze %dma_wait3A_408 : memref<1x128xf32, #tpu.memory_space<vmem>> -> memref<128xf32, #tpu.memory_space<vmem>>
      %dma_wait3A_410 = arith.constant 0 : i32
      %dma_wait3A_411 = tpu.memref_slice %arg3[%dma_wait3A, %dma_wait3A_410] : memref<40000x128xf32, #tpu.memory_space<hbm>> -> memref<1x128xf32, #tpu.memory_space<hbm>>
      %dma_wait3A_412 = tpu.memref_squeeze %dma_wait3A_411 : memref<1x128xf32, #tpu.memory_space<hbm>> -> memref<128xf32, #tpu.memory_space<hbm>>
      tpu.wait_dma2 semaphore(%arg27 : memref<!tpu.dma_semaphore, #tpu.memory_space<semaphore_mem>>) src(%dma_wait3A_412 : memref<128xf32, #tpu.memory_space<hbm>>) dst(%dma_wait3A_409 : memref<128xf32, #tpu.memory_space<vmem>>)
    }
    %while3A_21 = arith.constant 1 : i32
    scf.for %while3A_405 = %while3A_19 to %while3A_15 step %while3A_21  : i32 {
      %dma_wait3A = arith.constant 0 : i32
      %dma_wait3A_406 = arith.constant 0 : i32
      %dma_wait3A_407 = arith.constant 0 : i32
      %dma_wait3A_408 = tpu.memref_slice %arg24[%dma_wait3A_406, %dma_wait3A_407] : memref<512x128xf32, #tpu.memory_space<vmem>> -> memref<1x128xf32, #tpu.memory_space<vmem>>
      %dma_wait3A_409 = tpu.memref_squeeze %dma_wait3A_408 : memref<1x128xf32, #tpu.memory_space<vmem>> -> memref<128xf32, #tpu.memory_space<vmem>>
      %dma_wait3A_410 = arith.constant 0 : i32
      %dma_wait3A_411 = tpu.memref_slice %arg3[%dma_wait3A, %dma_wait3A_410] : memref<40000x128xf32, #tpu.memory_space<hbm>> -> memref<1x128xf32, #tpu.memory_space<hbm>>
      %dma_wait3A_412 = tpu.memref_squeeze %dma_wait3A_411 : memref<1x128xf32, #tpu.memory_space<hbm>> -> memref<128xf32, #tpu.memory_space<hbm>>
      tpu.wait_dma2 semaphore(%arg27 : memref<!tpu.dma_semaphore, #tpu.memory_space<semaphore_mem>>) src(%dma_wait3A_412 : memref<128xf32, #tpu.memory_space<hbm>>) dst(%dma_wait3A_409 : memref<128xf32, #tpu.memory_space<vmem>>)
    }
    %scan3A_22 = arith.constant 0 : i32
    %scan3A_23 = arith.constant 32 : i32
    %scan3A_24 = arith.addi %scan3A_22, %scan3A_23 : i32
    %scan3A_25 = arith.constant 1 : i32
    scf.for %scan3A_405 = %scan3A_22 to %scan3A_24 step %scan3A_25  : i32 {
      %mul3A_406 = arith.constant 16 : i32
      %mul3A_407 = arith.muli %scan3A_405, %mul3A_406 : i32
      %get3A_408 = arith.index_cast %mul3A_407 : i32 to index
      %get3A_409 = memref.load %arg1[%get3A_408] : memref<512xi32, #tpu.memory_space<smem>>
      %gt3A = arith.constant 16 : i32
      %gt3A_410 = arith.cmpi sgt, %get3A_409, %gt3A : i32
      %convert_element_type3A_411 = arith.extui %gt3A_410 : i1 to i32
      %cond3A = arith.constant 0 : i32
      %cond3A_412 = arith.cmpi ne, %convert_element_type3A_411, %cond3A : i32
      scf.if %cond3A_412 {
        %min3A = arith.constant 128 : i32
        %min3A_413 = arith.minsi %get3A_409, %min3A : i32
        %while3A_414 = arith.constant 0 : i32
        %while3A_415 = arith.constant 16 : i32
        %while3A_416 = arith.subi %min3A_413, %while3A_415 : i32
        %while3A_417 = arith.addi %while3A_415, %while3A_416 : i32
        %while3A_418 = arith.constant 1 : i32
        %while3A_419 = arith.divsi %while3A_416, %while3A_418 : i32
        %while3A_420 = arith.muli %while3A_419, %while3A_418 : i32
        %while3A_421 = arith.addi %while3A_415, %while3A_420 : i32
        %while3A_422 = arith.constant 1 : i32
        scf.for %while3A_424 = %while3A_415 to %while3A_421 step %while3A_422  : i32 {
          %mul3A_425 = arith.constant 128 : i32
          %mul3A_426 = arith.muli %scan3A_405, %mul3A_425 : i32
          %add3A_427 = arith.addi %mul3A_426, %while3A_424 : i32
          %get3A_428 = arith.index_cast %add3A_427 : i32 to index
          %get3A_429 = memref.load %arg2[%get3A_428] : memref<4096xi32, #tpu.memory_space<smem>>
          %jit3A_430 = arith.constant 8 : i32
          %div3A_431 = arith.divsi %get3A_429, %jit3A_430 : i32
          %sign3A_432 = arith.constant 0 : i32
          %sign3A_433 = arith.cmpi sgt, %get3A_429, %sign3A_432 : i32
          %sign3A_434 = arith.extui %sign3A_433 : i1 to i32
          %sign3A_435 = arith.constant 0 : i32
          %sign3A_436 = arith.cmpi slt, %get3A_429, %sign3A_435 : i32
          %sign3A_437 = arith.extui %sign3A_436 : i1 to i32
          %sign3A_438 = arith.subi %sign3A_434, %sign3A_437 : i32
          %sign3A_439 = arith.constant 0 : i32
          %sign3A_440 = arith.cmpi sgt, %jit3A_430, %sign3A_439 : i32
          %sign3A_441 = arith.extui %sign3A_440 : i1 to i32
          %sign3A_442 = arith.constant 0 : i32
          %sign3A_443 = arith.cmpi slt, %jit3A_430, %sign3A_442 : i32
          %sign3A_444 = arith.extui %sign3A_443 : i1 to i32
          %sign3A_445 = arith.subi %sign3A_441, %sign3A_444 : i32
          %ne3A_446 = arith.cmpi ne, %sign3A_438, %sign3A_445 : i32
          %rem3A_447 = arith.remsi %get3A_429, %jit3A_430 : i32
          %ne3A_448 = arith.constant 0 : i32
          %ne3A_449 = arith.cmpi ne, %rem3A_447, %ne3A_448 : i32
          %and3A_450 = arith.andi %ne3A_446, %ne3A_449 : i1
          %sub3A_451 = arith.constant 1 : i32
          %sub3A_452 = arith.subi %div3A_431, %sub3A_451 : i32
          %select_n3A_453 = arith.select %and3A_450, %sub3A_452, %div3A_431 : i32
          "tpu.region"() ({
            %run_scoped3A = tpu.sem_alloc : memref<!tpu.dma_semaphore, #tpu.memory_space<semaphore_mem>>
            %dma_start3A = arith.constant 0 : i32
            %dma_start3A_515 = tpu.memref_slice %arg3[%select_n3A_453, %dma_start3A] : memref<40000x128xf32, #tpu.memory_space<hbm>> -> memref<1x128xf32, #tpu.memory_space<hbm>>
            %dma_start3A_516 = tpu.memref_squeeze %dma_start3A_515 : memref<1x128xf32, #tpu.memory_space<hbm>> -> memref<128xf32, #tpu.memory_space<hbm>>
            tpu.enqueue_dma source(%dma_start3A_516 : memref<128xf32, #tpu.memory_space<hbm>>) target(%arg25 : memref<128xf32, #tpu.memory_space<vmem>>) target_semaphore(%run_scoped3A : memref<!tpu.dma_semaphore, #tpu.memory_space<semaphore_mem>>)
            %dma_wait3A = arith.constant 0 : i32
            %dma_wait3A_517 = tpu.memref_slice %arg3[%select_n3A_453, %dma_wait3A] : memref<40000x128xf32, #tpu.memory_space<hbm>> -> memref<1x128xf32, #tpu.memory_space<hbm>>
            %dma_wait3A_518 = tpu.memref_squeeze %dma_wait3A_517 : memref<1x128xf32, #tpu.memory_space<hbm>> -> memref<128xf32, #tpu.memory_space<hbm>>
            tpu.wait_dma2 semaphore(%run_scoped3A : memref<!tpu.dma_semaphore, #tpu.memory_space<semaphore_mem>>) src(%dma_wait3A_518 : memref<128xf32, #tpu.memory_space<hbm>>) dst(%arg25 : memref<128xf32, #tpu.memory_space<vmem>>)
            tpu.yield
          }) : () -> ()
          %iota3A_454 = tpu.iota {dimensions = array<i32: 1>} : vector<1x128xi32>
          %iota3A_455 = vector.shape_cast %iota3A_454 : vector<1x128xi32> to vector<128xi32>
          %jit3A_456 = arith.constant 16 : i32
          %div3A_457 = vector.broadcast %jit3A_456 : i32 to vector<128xi32>
          %div3A_458 = arith.divsi %iota3A_455, %div3A_457 : vector<128xi32>
          %sign3A_459 = arith.constant 0 : i32
          %sign3A_460 = vector.broadcast %sign3A_459 : i32 to vector<128xi32>
          %sign3A_461 = arith.cmpi sgt, %iota3A_455, %sign3A_460 : vector<128xi32>
          %sign3A_462 = arith.extui %sign3A_461 : vector<128xi1> to vector<128xi32>
          %sign3A_463 = arith.constant 0 : i32
          %sign3A_464 = vector.broadcast %sign3A_463 : i32 to vector<128xi32>
          %sign3A_465 = arith.cmpi slt, %iota3A_455, %sign3A_464 : vector<128xi32>
          %sign3A_466 = arith.extui %sign3A_465 : vector<128xi1> to vector<128xi32>
          %sign3A_467 = arith.subi %sign3A_462, %sign3A_466 : vector<128xi32>
          %sign3A_468 = arith.constant 0 : i32
          %sign3A_469 = arith.cmpi sgt, %jit3A_456, %sign3A_468 : i32
          %sign3A_470 = arith.extui %sign3A_469 : i1 to i32
          %sign3A_471 = arith.constant 0 : i32
          %sign3A_472 = arith.cmpi slt, %jit3A_456, %sign3A_471 : i32
          %sign3A_473 = arith.extui %sign3A_472 : i1 to i32
          %sign3A_474 = arith.subi %sign3A_470, %sign3A_473 : i32
          %ne3A_475 = vector.broadcast %sign3A_474 : i32 to vector<128xi32>
          %ne3A_476 = arith.cmpi ne, %sign3A_467, %ne3A_475 : vector<128xi32>
          %rem3A_477 = vector.broadcast %jit3A_456 : i32 to vector<128xi32>
          %rem3A_478 = arith.remsi %iota3A_455, %rem3A_477 : vector<128xi32>
          %ne3A_479 = arith.constant 0 : i32
          %ne3A_480 = vector.broadcast %ne3A_479 : i32 to vector<128xi32>
          %ne3A_481 = arith.cmpi ne, %rem3A_478, %ne3A_480 : vector<128xi32>
          %and3A_482 = arith.andi %ne3A_476, %ne3A_481 : vector<128xi1>
          %sub3A_483 = arith.constant 1 : i32
          %sub3A_484 = vector.broadcast %sub3A_483 : i32 to vector<128xi32>
          %sub3A_485 = arith.subi %div3A_458, %sub3A_484 : vector<128xi32>
          %select_n3A_486 = arith.select %and3A_482, %sub3A_485, %div3A_458 : vector<128xi1>, vector<128xi32>
          %jit3A_487 = arith.constant 8 : i32
          %eq3A_488 = arith.constant 0 : i32
          %eq3A_489 = arith.cmpi eq, %jit3A_487, %eq3A_488 : i32
          %jit3A_490 = arith.constant 1 : i32
          %select_n3A_491 = arith.select %eq3A_489, %jit3A_490, %jit3A_487 : i32
          %rem3A_492 = arith.remsi %get3A_429, %select_n3A_491 : i32
          %ne3A_493 = arith.constant 0 : i32
          %ne3A_494 = arith.cmpi ne, %rem3A_492, %ne3A_493 : i32
          %lt3A_495 = arith.constant 0 : i32
          %lt3A_496 = arith.cmpi slt, %rem3A_492, %lt3A_495 : i32
          %lt3A_497 = arith.constant 0 : i32
          %lt3A_498 = arith.cmpi slt, %select_n3A_491, %lt3A_497 : i32
          %ne3A_499 = arith.xori %lt3A_496, %lt3A_498 : i1
          %and3A_500 = arith.andi %ne3A_499, %ne3A_494 : i1
          %add3A_501 = arith.addi %rem3A_492, %select_n3A_491 : i32
          %select_n3A_502 = arith.select %and3A_500, %add3A_501, %rem3A_492 : i32
          %eq3A_503 = vector.broadcast %select_n3A_502 : i32 to vector<128xi32>
          %eq3A_504 = arith.cmpi eq, %select_n3A_486, %eq3A_503 : vector<128xi32>
          %get3A_505 = arith.constant 0 : index
          %get3A_506 = vector.load %arg26[%get3A_505] : memref<128xf32, #tpu.memory_space<vmem>>, vector<128xf32>
          %get3A_507 = arith.constant 0 : index
          %get3A_508 = vector.load %arg25[%get3A_507] : memref<128xf32, #tpu.memory_space<vmem>>, vector<128xf32>
          %jit3A_509 = arith.constant 0.000000e+00 : f32
          %broadcast_in_dim3A_510 = vector.broadcast %jit3A_509 : f32 to vector<128xf32>
          %select_n3A_511 = arith.select %eq3A_504, %get3A_508, %broadcast_in_dim3A_510 : vector<128xi1>, vector<128xf32>
          %add3A_512 = arith.addf %get3A_506, %select_n3A_511 : vector<128xf32>
          %swap3A_513 = arith.constant 0 : index
          %swap3A_514 = vector.load %arg26[%swap3A_513] : memref<128xf32, #tpu.memory_space<vmem>>, vector<128xf32>
          tpu.vector_store %arg26[%swap3A_513], %add3A_512 {strides = array<i32>} : memref<128xf32, #tpu.memory_space<vmem>>, vector<128xf32>,
        }
        %while3A_423 = arith.constant 1 : i32
        scf.for %while3A_424 = %while3A_421 to %while3A_417 step %while3A_423  : i32 {
          %mul3A_425 = arith.constant 128 : i32
          %mul3A_426 = arith.muli %scan3A_405, %mul3A_425 : i32
          %add3A_427 = arith.addi %mul3A_426, %while3A_424 : i32
          %get3A_428 = arith.index_cast %add3A_427 : i32 to index
          %get3A_429 = memref.load %arg2[%get3A_428] : memref<4096xi32, #tpu.memory_space<smem>>
          %jit3A_430 = arith.constant 8 : i32
          %div3A_431 = arith.divsi %get3A_429, %jit3A_430 : i32
          %sign3A_432 = arith.constant 0 : i32
          %sign3A_433 = arith.cmpi sgt, %get3A_429, %sign3A_432 : i32
          %sign3A_434 = arith.extui %sign3A_433 : i1 to i32
          %sign3A_435 = arith.constant 0 : i32
          %sign3A_436 = arith.cmpi slt, %get3A_429, %sign3A_435 : i32
          %sign3A_437 = arith.extui %sign3A_436 : i1 to i32
          %sign3A_438 = arith.subi %sign3A_434, %sign3A_437 : i32
          %sign3A_439 = arith.constant 0 : i32
          %sign3A_440 = arith.cmpi sgt, %jit3A_430, %sign3A_439 : i32
          %sign3A_441 = arith.extui %sign3A_440 : i1 to i32
          %sign3A_442 = arith.constant 0 : i32
          %sign3A_443 = arith.cmpi slt, %jit3A_430, %sign3A_442 : i32
          %sign3A_444 = arith.extui %sign3A_443 : i1 to i32
          %sign3A_445 = arith.subi %sign3A_441, %sign3A_444 : i32
          %ne3A_446 = arith.cmpi ne, %sign3A_438, %sign3A_445 : i32
          %rem3A_447 = arith.remsi %get3A_429, %jit3A_430 : i32
          %ne3A_448 = arith.constant 0 : i32
          %ne3A_449 = arith.cmpi ne, %rem3A_447, %ne3A_448 : i32
          %and3A_450 = arith.andi %ne3A_446, %ne3A_449 : i1
          %sub3A_451 = arith.constant 1 : i32
          %sub3A_452 = arith.subi %div3A_431, %sub3A_451 : i32
          %select_n3A_453 = arith.select %and3A_450, %sub3A_452, %div3A_431 : i32
          "tpu.region"() ({
            %run_scoped3A = tpu.sem_alloc : memref<!tpu.dma_semaphore, #tpu.memory_space<semaphore_mem>>
            %dma_start3A = arith.constant 0 : i32
            %dma_start3A_515 = tpu.memref_slice %arg3[%select_n3A_453, %dma_start3A] : memref<40000x128xf32, #tpu.memory_space<hbm>> -> memref<1x128xf32, #tpu.memory_space<hbm>>
            %dma_start3A_516 = tpu.memref_squeeze %dma_start3A_515 : memref<1x128xf32, #tpu.memory_space<hbm>> -> memref<128xf32, #tpu.memory_space<hbm>>
            tpu.enqueue_dma source(%dma_start3A_516 : memref<128xf32, #tpu.memory_space<hbm>>) target(%arg25 : memref<128xf32, #tpu.memory_space<vmem>>) target_semaphore(%run_scoped3A : memref<!tpu.dma_semaphore, #tpu.memory_space<semaphore_mem>>)
            %dma_wait3A = arith.constant 0 : i32
            %dma_wait3A_517 = tpu.memref_slice %arg3[%select_n3A_453, %dma_wait3A] : memref<40000x128xf32, #tpu.memory_space<hbm>> -> memref<1x128xf32, #tpu.memory_space<hbm>>
            %dma_wait3A_518 = tpu.memref_squeeze %dma_wait3A_517 : memref<1x128xf32, #tpu.memory_space<hbm>> -> memref<128xf32, #tpu.memory_space<hbm>>
            tpu.wait_dma2 semaphore(%run_scoped3A : memref<!tpu.dma_semaphore, #tpu.memory_space<semaphore_mem>>) src(%dma_wait3A_518 : memref<128xf32, #tpu.memory_space<hbm>>) dst(%arg25 : memref<128xf32, #tpu.memory_space<vmem>>)
            tpu.yield
          }) : () -> ()
          %iota3A_454 = tpu.iota {dimensions = array<i32: 1>} : vector<1x128xi32>
          %iota3A_455 = vector.shape_cast %iota3A_454 : vector<1x128xi32> to vector<128xi32>
          %jit3A_456 = arith.constant 16 : i32
          %div3A_457 = vector.broadcast %jit3A_456 : i32 to vector<128xi32>
          %div3A_458 = arith.divsi %iota3A_455, %div3A_457 : vector<128xi32>
          %sign3A_459 = arith.constant 0 : i32
          %sign3A_460 = vector.broadcast %sign3A_459 : i32 to vector<128xi32>
          %sign3A_461 = arith.cmpi sgt, %iota3A_455, %sign3A_460 : vector<128xi32>
          %sign3A_462 = arith.extui %sign3A_461 : vector<128xi1> to vector<128xi32>
          %sign3A_463 = arith.constant 0 : i32
          %sign3A_464 = vector.broadcast %sign3A_463 : i32 to vector<128xi32>
          %sign3A_465 = arith.cmpi slt, %iota3A_455, %sign3A_464 : vector<128xi32>
          %sign3A_466 = arith.extui %sign3A_465 : vector<128xi1> to vector<128xi32>
          %sign3A_467 = arith.subi %sign3A_462, %sign3A_466 : vector<128xi32>
          %sign3A_468 = arith.constant 0 : i32
          %sign3A_469 = arith.cmpi sgt, %jit3A_456, %sign3A_468 : i32
          %sign3A_470 = arith.extui %sign3A_469 : i1 to i32
          %sign3A_471 = arith.constant 0 : i32
          %sign3A_472 = arith.cmpi slt, %jit3A_456, %sign3A_471 : i32
          %sign3A_473 = arith.extui %sign3A_472 : i1 to i32
          %sign3A_474 = arith.subi %sign3A_470, %sign3A_473 : i32
          %ne3A_475 = vector.broadcast %sign3A_474 : i32 to vector<128xi32>
          %ne3A_476 = arith.cmpi ne, %sign3A_467, %ne3A_475 : vector<128xi32>
          %rem3A_477 = vector.broadcast %jit3A_456 : i32 to vector<128xi32>
          %rem3A_478 = arith.remsi %iota3A_455, %rem3A_477 : vector<128xi32>
          %ne3A_479 = arith.constant 0 : i32
          %ne3A_480 = vector.broadcast %ne3A_479 : i32 to vector<128xi32>
          %ne3A_481 = arith.cmpi ne, %rem3A_478, %ne3A_480 : vector<128xi32>
          %and3A_482 = arith.andi %ne3A_476, %ne3A_481 : vector<128xi1>
          %sub3A_483 = arith.constant 1 : i32
          %sub3A_484 = vector.broadcast %sub3A_483 : i32 to vector<128xi32>
          %sub3A_485 = arith.subi %div3A_458, %sub3A_484 : vector<128xi32>
          %select_n3A_486 = arith.select %and3A_482, %sub3A_485, %div3A_458 : vector<128xi1>, vector<128xi32>
          %jit3A_487 = arith.constant 8 : i32
          %eq3A_488 = arith.constant 0 : i32
          %eq3A_489 = arith.cmpi eq, %jit3A_487, %eq3A_488 : i32
          %jit3A_490 = arith.constant 1 : i32
          %select_n3A_491 = arith.select %eq3A_489, %jit3A_490, %jit3A_487 : i32
          %rem3A_492 = arith.remsi %get3A_429, %select_n3A_491 : i32
          %ne3A_493 = arith.constant 0 : i32
          %ne3A_494 = arith.cmpi ne, %rem3A_492, %ne3A_493 : i32
          %lt3A_495 = arith.constant 0 : i32
          %lt3A_496 = arith.cmpi slt, %rem3A_492, %lt3A_495 : i32
          %lt3A_497 = arith.constant 0 : i32
          %lt3A_498 = arith.cmpi slt, %select_n3A_491, %lt3A_497 : i32
          %ne3A_499 = arith.xori %lt3A_496, %lt3A_498 : i1
          %and3A_500 = arith.andi %ne3A_499, %ne3A_494 : i1
          %add3A_501 = arith.addi %rem3A_492, %select_n3A_491 : i32
          %select_n3A_502 = arith.select %and3A_500, %add3A_501, %rem3A_492 : i32
          %eq3A_503 = vector.broadcast %select_n3A_502 : i32 to vector<128xi32>
          %eq3A_504 = arith.cmpi eq, %select_n3A_486, %eq3A_503 : vector<128xi32>
          %get3A_505 = arith.constant 0 : index
          %get3A_506 = vector.load %arg26[%get3A_505] : memref<128xf32, #tpu.memory_space<vmem>>, vector<128xf32>
          %get3A_507 = arith.constant 0 : index
          %get3A_508 = vector.load %arg25[%get3A_507] : memref<128xf32, #tpu.memory_space<vmem>>, vector<128xf32>
          %jit3A_509 = arith.constant 0.000000e+00 : f32
          %broadcast_in_dim3A_510 = vector.broadcast %jit3A_509 : f32 to vector<128xf32>
          %select_n3A_511 = arith.select %eq3A_504, %get3A_508, %broadcast_in_dim3A_510 : vector<128xi1>, vector<128xf32>
          %add3A_512 = arith.addf %get3A_506, %select_n3A_511 : vector<128xf32>
          %swap3A_513 = arith.constant 0 : index
          %swap3A_514 = vector.load %arg26[%swap3A_513] : memref<128xf32, #tpu.memory_space<vmem>>, vector<128xf32>
          tpu.vector_store %arg26[%swap3A_513], %add3A_512 {strides = array<i32>} : memref<128xf32, #tpu.memory_space<vmem>>, vector<128xf32>,
        }
      } else {
      }
    }
    %scan3A_26 = arith.constant 32 : i32
    %get3A = arith.constant 0 : index
    %get3A_27 = arith.constant 0 : index
    %get3A_28 = vector.load %arg4[%get3A, %get3A_27] : memref<512x1xi32, #tpu.memory_space<vmem>>, vector<512x1xi32>
    %convert_element_type3A = arith.sitofp %get3A_28 : vector<512x1xi32> to vector<512x1xf32>
    %iota3A = tpu.iota {dimensions = array<i32: 0>} : vector<512x1xi32>
    %jit3A = arith.constant 16 : i32
    %eq3A = arith.constant 0 : i32
    %eq3A_29 = arith.cmpi eq, %jit3A, %eq3A : i32
    %jit3A_30 = arith.constant 1 : i32
    %select_n3A = arith.select %eq3A_29, %jit3A_30, %jit3A : i32
    %rem3A = vector.broadcast %select_n3A : i32 to vector<512x1xi32>
    %rem3A_31 = arith.remsi %iota3A, %rem3A : vector<512x1xi32>
    %ne3A = arith.constant 0 : i32
    %ne3A_32 = vector.broadcast %ne3A : i32 to vector<512x1xi32>
    %ne3A_33 = arith.cmpi ne, %rem3A_31, %ne3A_32 : vector<512x1xi32>
    %lt3A = arith.constant 0 : i32
    %lt3A_34 = vector.broadcast %lt3A : i32 to vector<512x1xi32>
    %lt3A_35 = arith.cmpi slt, %rem3A_31, %lt3A_34 : vector<512x1xi32>
    %lt3A_36 = arith.constant 0 : i32
    %lt3A_37 = arith.cmpi slt, %select_n3A, %lt3A_36 : i32
    %ne3A_38 = vector.broadcast %lt3A_37 : i1 to vector<512x1xi1>
    %ne3A_39 = vector.broadcast %ne3A_38 : vector<512x1xi1> to vector<512x1xi1>
    %ne3A_40 = arith.xori %lt3A_35, %ne3A_39 : vector<512x1xi1>
    %and3A = arith.andi %ne3A_40, %ne3A_33 : vector<512x1xi1>
    %add3A = vector.broadcast %select_n3A : i32 to vector<512x1xi32>
    %add3A_41 = arith.addi %rem3A_31, %add3A : vector<512x1xi32>
    %select_n3A_42 = arith.select %and3A, %add3A_41, %rem3A_31 : vector<512x1xi1>, vector<512x1xi32>
    %convert_element_type3A_43 = arith.sitofp %select_n3A_42 : vector<512x1xi32> to vector<512x1xf32>
    %lt3A_44 = arith.cmpf olt, %convert_element_type3A_43, %convert_element_type3A : vector<512x1xf32>
    %reduce_sum3A = vector.shape_cast %convert_element_type3A : vector<512x1xf32> to vector<1x512x1xf32>
    %reduce_sum3A_45 = arith.constant dense<0.000000e+00> : vector<1xf32>
    %reduce_sum3A_46 = vector.multi_reduction <add>, %reduce_sum3A, %reduce_sum3A_45 [1, 2] : vector<1x512x1xf32> to vector<1xf32>
    %reduce_sum3A_47 = vector.shape_cast %reduce_sum3A_46 : vector<1xf32> to vector<1x1x1xf32>
    %reduce_sum3A_48 = vector.extract %reduce_sum3A_47[0, 0, 0] : f32 from vector<1x1x1xf32>
    %div3A = arith.constant 1.600000e+01 : f32
    %div3A_49 = arith.divf %reduce_sum3A_48, %div3A : f32
    %reshape3A = vector.broadcast %div3A_49 : f32 to vector<1x1xf32>
    %get3A_50 = arith.constant 0 : index
    %get3A_51 = arith.constant 0 : index
    %get3A_52 = vector.load %arg9[%get3A_50, %get3A_51] : memref<16x64xf32, #tpu.memory_space<vmem>>, vector<16x64xf32>
    %convert_element_type3A_53 = arith.truncf %get3A_52 : vector<16x64xf32> to vector<16x64xbf16>
    %convert_element_type3A_54 = arith.extf %convert_element_type3A_53 : vector<16x64xbf16> to vector<16x64xf32>
    %get3A_55 = arith.constant 0 : index
    %get3A_56 = arith.constant 0 : index
    %get3A_57 = vector.load %arg10[%get3A_55, %get3A_56] : memref<1x64xf32, #tpu.memory_space<vmem>>, vector<1x64xf32>
    %concatenate3A = tpu.concatenate %convert_element_type3A_54, %convert_element_type3A_54, %convert_element_type3A_54, %convert_element_type3A_54, %convert_element_type3A_54, %convert_element_type3A_54, %convert_element_type3A_54, %convert_element_type3A_54 in 0 : vector<16x64xf32>, vector<16x64xf32>, vector<16x64xf32>, vector<16x64xf32>, vector<16x64xf32>, vector<16x64xf32>, vector<16x64xf32>, vector<16x64xf32> -> vector<128x64xf32>
    %iota3A_58 = tpu.iota {dimensions = array<i32: 1>} : vector<512x128xi32>
    %jit3A_59 = arith.constant 16 : i32
    %div3A_60 = vector.broadcast %jit3A_59 : i32 to vector<512x128xi32>
    %div3A_61 = arith.divsi %iota3A_58, %div3A_60 : vector<512x128xi32>
    %sign3A = arith.constant 0 : i32
    %sign3A_62 = vector.broadcast %sign3A : i32 to vector<512x128xi32>
    %sign3A_63 = arith.cmpi sgt, %iota3A_58, %sign3A_62 : vector<512x128xi32>
    %sign3A_64 = arith.extui %sign3A_63 : vector<512x128xi1> to vector<512x128xi32>
    %sign3A_65 = arith.constant 0 : i32
    %sign3A_66 = vector.broadcast %sign3A_65 : i32 to vector<512x128xi32>
    %sign3A_67 = arith.cmpi slt, %iota3A_58, %sign3A_66 : vector<512x128xi32>
    %sign3A_68 = arith.extui %sign3A_67 : vector<512x128xi1> to vector<512x128xi32>
    %sign3A_69 = arith.subi %sign3A_64, %sign3A_68 : vector<512x128xi32>
    %sign3A_70 = arith.constant 0 : i32
    %sign3A_71 = arith.cmpi sgt, %jit3A_59, %sign3A_70 : i32
    %sign3A_72 = arith.extui %sign3A_71 : i1 to i32
    %sign3A_73 = arith.constant 0 : i32
    %sign3A_74 = arith.cmpi slt, %jit3A_59, %sign3A_73 : i32
    %sign3A_75 = arith.extui %sign3A_74 : i1 to i32
    %sign3A_76 = arith.subi %sign3A_72, %sign3A_75 : i32
    %ne3A_77 = vector.broadcast %sign3A_76 : i32 to vector<512x128xi32>
    %ne3A_78 = arith.cmpi ne, %sign3A_69, %ne3A_77 : vector<512x128xi32>
    %rem3A_79 = vector.broadcast %jit3A_59 : i32 to vector<512x128xi32>
    %rem3A_80 = arith.remsi %iota3A_58, %rem3A_79 : vector<512x128xi32>
    %ne3A_81 = arith.constant 0 : i32
    %ne3A_82 = vector.broadcast %ne3A_81 : i32 to vector<512x128xi32>
    %ne3A_83 = arith.cmpi ne, %rem3A_80, %ne3A_82 : vector<512x128xi32>
    %and3A_84 = arith.andi %ne3A_78, %ne3A_83 : vector<512x128xi1>
    %sub3A = arith.constant 1 : i32
    %sub3A_85 = vector.broadcast %sub3A : i32 to vector<512x128xi32>
    %sub3A_86 = arith.subi %div3A_61, %sub3A_85 : vector<512x128xi32>
    %select_n3A_87 = arith.select %and3A_84, %sub3A_86, %div3A_61 : vector<512x128xi1>, vector<512x128xi32>
    %get3A_88 = arith.constant 0 : index
    %get3A_89 = arith.constant 0 : index
    %get3A_90 = vector.load %arg5[%get3A_88, %get3A_89] : memref<512x1xi32, #tpu.memory_space<vmem>>, vector<512x1xi32>
    %jit3A_91 = arith.constant 8 : i32
    %eq3A_92 = arith.constant 0 : i32
    %eq3A_93 = arith.cmpi eq, %jit3A_91, %eq3A_92 : i32
    %jit3A_94 = arith.constant 1 : i32
    %select_n3A_95 = arith.select %eq3A_93, %jit3A_94, %jit3A_91 : i32
    %rem3A_96 = vector.broadcast %select_n3A_95 : i32 to vector<512x1xi32>
    %rem3A_97 = arith.remsi %get3A_90, %rem3A_96 : vector<512x1xi32>
    %ne3A_98 = arith.constant 0 : i32
    %ne3A_99 = vector.broadcast %ne3A_98 : i32 to vector<512x1xi32>
    %ne3A_100 = arith.cmpi ne, %rem3A_97, %ne3A_99 : vector<512x1xi32>
    %lt3A_101 = arith.constant 0 : i32
    %lt3A_102 = vector.broadcast %lt3A_101 : i32 to vector<512x1xi32>
    %lt3A_103 = arith.cmpi slt, %rem3A_97, %lt3A_102 : vector<512x1xi32>
    %lt3A_104 = arith.constant 0 : i32
    %lt3A_105 = arith.cmpi slt, %select_n3A_95, %lt3A_104 : i32
    %ne3A_106 = vector.broadcast %lt3A_105 : i1 to vector<512x1xi1>
    %ne3A_107 = vector.broadcast %ne3A_106 : vector<512x1xi1> to vector<512x1xi1>
    %ne3A_108 = arith.xori %lt3A_103, %ne3A_107 : vector<512x1xi1>
    %and3A_109 = arith.andi %ne3A_108, %ne3A_100 : vector<512x1xi1>
    %add3A_110 = vector.broadcast %select_n3A_95 : i32 to vector<512x1xi32>
    %add3A_111 = arith.addi %rem3A_97, %add3A_110 : vector<512x1xi32>
    %select_n3A_112 = arith.select %and3A_109, %add3A_111, %rem3A_97 : vector<512x1xi1>, vector<512x1xi32>
    %eq3A_113 = vector.broadcast %select_n3A_112 : vector<512x1xi32> to vector<512x128xi32>
    %eq3A_114 = arith.cmpi eq, %select_n3A_87, %eq3A_113 : vector<512x128xi32>
    %get3A_115 = arith.constant 0 : index
    %get3A_116 = arith.constant 0 : index
    %get3A_117 = vector.load %arg24[%get3A_115, %get3A_116] : memref<512x128xf32, #tpu.memory_space<vmem>>, vector<512x128xf32>
    %jit3A_118 = arith.constant 0.000000e+00 : f32
    %broadcast_in_dim3A_119 = vector.broadcast %jit3A_118 : f32 to vector<512x128xf32>
    %select_n3A_120 = arith.select %eq3A_114, %get3A_117, %broadcast_in_dim3A_119 : vector<512x128xi1>, vector<512x128xf32>
    %convert_element_type3A_121 = arith.truncf %select_n3A_120 : vector<512x128xf32> to vector<512x128xbf16>
    %convert_element_type3A_122 = arith.extf %convert_element_type3A_121 : vector<512x128xbf16> to vector<512x128xf32>
    %dot_general3A = arith.constant dense<0.000000e+00> : vector<512x64xf32>
    %dot_general3A_123 = tpu.matmul %convert_element_type3A_122, %concatenate3A, %dot_general3A {dimension_numbers = #tpu.dot_dimension_numbers<[1], [0], [0], [1], [0, 0, 1, 1], [], []>, transpose_lhs_hint = false} : vector<512x128xf32>, vector<128x64xf32>, vector<512x64xf32> -> vector<512x64xf32>
    %add3A_124 = vector.broadcast %get3A_57 : vector<1x64xf32> to vector<512x64xf32>
    %add3A_125 = arith.addf %dot_general3A_123, %add3A_124 : vector<512x64xf32>
    %convert_element_type3A_126 = arith.truncf %add3A_125 : vector<512x64xf32> to vector<512x64xbf16>
    %convert_element_type3A_127 = arith.extf %convert_element_type3A_126 : vector<512x64xbf16> to vector<512x64xf32>
    %jit3A_128 = arith.constant 0.000000e+00 : f32
    %broadcast_in_dim3A_129 = vector.shape_cast %lt3A_44 : vector<512x1xi1> to vector<512x1xi1>
    %broadcast_in_dim3A_130 = vector.broadcast %broadcast_in_dim3A_129 : vector<512x1xi1> to vector<512x64xi1>
    %broadcast_in_dim3A_131 = vector.broadcast %jit3A_128 : f32 to vector<512x64xf32>
    %select_n3A_132 = arith.select %broadcast_in_dim3A_130, %convert_element_type3A_127, %broadcast_in_dim3A_131 : vector<512x64xi1>, vector<512x64xf32>
    %reduce_sum3A_133 = arith.constant dense<0.000000e+00> : vector<64xf32>
    %reduce_sum3A_134 = vector.multi_reduction <add>, %select_n3A_132, %reduce_sum3A_133 [0] : vector<512x64xf32> to vector<64xf32>
    %broadcast_in_dim3A_135 = vector.shape_cast %reduce_sum3A_134 : vector<64xf32> to vector<1x64xf32>
    %get3A_136 = arith.constant 0 : index
    %get3A_137 = vector.load %arg26[%get3A_136] : memref<128xf32, #tpu.memory_space<vmem>>, vector<128xf32>
    %slice3A = vector.extract_strided_slice %get3A_137 {offsets = [0], sizes = [16], strides = [1]} : vector<128xf32> to vector<16xf32>
    %add3A_138 = arith.constant 0.000000e+00 : f32
    %add3A_139 = vector.broadcast %add3A_138 : f32 to vector<16xf32>
    %add3A_140 = arith.addf %add3A_139, %slice3A : vector<16xf32>
    %slice3A_141 = vector.extract_strided_slice %get3A_137 {offsets = [16], sizes = [16], strides = [1]} : vector<128xf32> to vector<16xf32>
    %add3A_142 = arith.addf %add3A_140, %slice3A_141 : vector<16xf32>
    %slice3A_143 = vector.extract_strided_slice %get3A_137 {offsets = [32], sizes = [16], strides = [1]} : vector<128xf32> to vector<16xf32>
    %add3A_144 = arith.addf %add3A_142, %slice3A_143 : vector<16xf32>
    %slice3A_145 = vector.extract_strided_slice %get3A_137 {offsets = [48], sizes = [16], strides = [1]} : vector<128xf32> to vector<16xf32>
    %add3A_146 = arith.addf %add3A_144, %slice3A_145 : vector<16xf32>
    %slice3A_147 = vector.extract_strided_slice %get3A_137 {offsets = [64], sizes = [16], strides = [1]} : vector<128xf32> to vector<16xf32>
    %add3A_148 = arith.addf %add3A_146, %slice3A_147 : vector<16xf32>
    %slice3A_149 = vector.extract_strided_slice %get3A_137 {offsets = [80], sizes = [16], strides = [1]} : vector<128xf32> to vector<16xf32>
    %add3A_150 = arith.addf %add3A_148, %slice3A_149 : vector<16xf32>
    %slice3A_151 = vector.extract_strided_slice %get3A_137 {offsets = [96], sizes = [16], strides = [1]} : vector<128xf32> to vector<16xf32>
    %add3A_152 = arith.addf %add3A_150, %slice3A_151 : vector<16xf32>
    %slice3A_153 = vector.extract_strided_slice %get3A_137 {offsets = [112], sizes = [16], strides = [1]} : vector<128xf32> to vector<16xf32>
    %add3A_154 = arith.addf %add3A_152, %slice3A_153 : vector<16xf32>
    %reshape3A_155 = vector.shape_cast %add3A_154 : vector<16xf32> to vector<1x16xf32>
    %sub3A_156 = arith.constant 1.600000e+01 : f32
    %sub3A_157 = vector.broadcast %sub3A_156 : f32 to vector<512x1xf32>
    %sub3A_158 = arith.subf %convert_element_type3A, %sub3A_157 : vector<512x1xf32>
    %max3A = arith.constant 0.000000e+00 : f32
    %max3A_159 = vector.broadcast %max3A : f32 to vector<512x1xf32>
    %max3A_160 = arith.maximumf %sub3A_158, %max3A_159 : vector<512x1xf32>
    %reduce_sum3A_161 = vector.shape_cast %max3A_160 : vector<512x1xf32> to vector<1x512x1xf32>
    %reduce_sum3A_162 = arith.constant dense<0.000000e+00> : vector<1xf32>
    %reduce_sum3A_163 = vector.multi_reduction <add>, %reduce_sum3A_161, %reduce_sum3A_162 [1, 2] : vector<1x512x1xf32> to vector<1xf32>
    %reduce_sum3A_164 = vector.shape_cast %reduce_sum3A_163 : vector<1xf32> to vector<1x1x1xf32>
    %reduce_sum3A_165 = vector.extract %reduce_sum3A_164[0, 0, 0] : f32 from vector<1x1x1xf32>
    %div3A_166 = arith.constant 1.600000e+01 : f32
    %div3A_167 = arith.divf %reduce_sum3A_165, %div3A_166 : f32
    %reshape3A_168 = vector.broadcast %div3A_167 : f32 to vector<1x1xf32>
    %convert_element_type3A_169 = arith.truncf %reshape3A_155 : vector<1x16xf32> to vector<1x16xbf16>
    %convert_element_type3A_170 = arith.extf %convert_element_type3A_169 : vector<1x16xbf16> to vector<1x16xf32>
    %sub3A_171 = arith.subf %reshape3A_155, %convert_element_type3A_170 : vector<1x16xf32>
    %convert_element_type3A_172 = arith.truncf %sub3A_171 : vector<1x16xf32> to vector<1x16xbf16>
    %convert_element_type3A_173 = arith.extf %convert_element_type3A_172 : vector<1x16xbf16> to vector<1x16xf32>
    %sub3A_174 = arith.subf %reshape3A_155, %convert_element_type3A_170 : vector<1x16xf32>
    %sub3A_175 = arith.subf %sub3A_174, %convert_element_type3A_173 : vector<1x16xf32>
    %convert_element_type3A_176 = arith.truncf %sub3A_175 : vector<1x16xf32> to vector<1x16xbf16>
    %convert_element_type3A_177 = arith.extf %convert_element_type3A_176 : vector<1x16xbf16> to vector<1x16xf32>
    %dot_general3A_178 = arith.constant dense<0.000000e+00> : vector<1x64xf32>
    %dot_general3A_179 = tpu.matmul %convert_element_type3A_170, %convert_element_type3A_54, %dot_general3A_178 {dimension_numbers = #tpu.dot_dimension_numbers<[1], [0], [0], [1], [0, 0, 1, 1], [], []>, transpose_lhs_hint = false} : vector<1x16xf32>, vector<16x64xf32>, vector<1x64xf32> -> vector<1x64xf32>
    %dot_general3A_180 = arith.constant dense<0.000000e+00> : vector<1x64xf32>
    %dot_general3A_181 = tpu.matmul %convert_element_type3A_173, %convert_element_type3A_54, %dot_general3A_180 {dimension_numbers = #tpu.dot_dimension_numbers<[1], [0], [0], [1], [0, 0, 1, 1], [], []>, transpose_lhs_hint = false} : vector<1x16xf32>, vector<16x64xf32>, vector<1x64xf32> -> vector<1x64xf32>
    %add3A_182 = arith.addf %dot_general3A_179, %dot_general3A_181 : vector<1x64xf32>
    %dot_general3A_183 = arith.constant dense<0.000000e+00> : vector<1x64xf32>
    %dot_general3A_184 = tpu.matmul %convert_element_type3A_177, %convert_element_type3A_54, %dot_general3A_183 {dimension_numbers = #tpu.dot_dimension_numbers<[1], [0], [0], [1], [0, 0, 1, 1], [], []>, transpose_lhs_hint = false} : vector<1x16xf32>, vector<16x64xf32>, vector<1x64xf32> -> vector<1x64xf32>
    %add3A_185 = arith.addf %add3A_182, %dot_general3A_184 : vector<1x64xf32>
    %mul3A = vector.broadcast %reshape3A_168 : vector<1x1xf32> to vector<1x64xf32>
    %mul3A_186 = arith.mulf %mul3A, %get3A_57 : vector<1x64xf32>
    %add3A_187 = arith.addf %add3A_185, %mul3A_186 : vector<1x64xf32>
    %convert_element_type3A_188 = arith.truncf %add3A_187 : vector<1x64xf32> to vector<1x64xbf16>
    %convert_element_type3A_189 = arith.extf %convert_element_type3A_188 : vector<1x64xbf16> to vector<1x64xf32>
    %add3A_190 = arith.addf %broadcast_in_dim3A_135, %convert_element_type3A_189 : vector<1x64xf32>
    %get3A_191 = arith.constant 0 : index
    %get3A_192 = arith.constant 0 : index
    %get3A_193 = vector.load %arg11[%get3A_191, %get3A_192] : memref<64x64xf32, #tpu.memory_space<vmem>>, vector<64x64xf32>
    %convert_element_type3A_194 = arith.truncf %get3A_193 : vector<64x64xf32> to vector<64x64xbf16>
    %convert_element_type3A_195 = arith.extf %convert_element_type3A_194 : vector<64x64xbf16> to vector<64x64xf32>
    %convert_element_type3A_196 = arith.truncf %add3A_190 : vector<1x64xf32> to vector<1x64xbf16>
    %convert_element_type3A_197 = arith.extf %convert_element_type3A_196 : vector<1x64xbf16> to vector<1x64xf32>
    %sub3A_198 = arith.subf %add3A_190, %convert_element_type3A_197 : vector<1x64xf32>
    %convert_element_type3A_199 = arith.truncf %sub3A_198 : vector<1x64xf32> to vector<1x64xbf16>
    %convert_element_type3A_200 = arith.extf %convert_element_type3A_199 : vector<1x64xbf16> to vector<1x64xf32>
    %sub3A_201 = arith.subf %add3A_190, %convert_element_type3A_197 : vector<1x64xf32>
    %sub3A_202 = arith.subf %sub3A_201, %convert_element_type3A_200 : vector<1x64xf32>
    %convert_element_type3A_203 = arith.truncf %sub3A_202 : vector<1x64xf32> to vector<1x64xbf16>
    %convert_element_type3A_204 = arith.extf %convert_element_type3A_203 : vector<1x64xbf16> to vector<1x64xf32>
    %dot_general3A_205 = arith.constant dense<0.000000e+00> : vector<1x64xf32>
    %dot_general3A_206 = tpu.matmul %convert_element_type3A_197, %convert_element_type3A_195, %dot_general3A_205 {dimension_numbers = #tpu.dot_dimension_numbers<[1], [0], [0], [1], [0, 0, 1, 1], [], []>, transpose_lhs_hint = false} : vector<1x64xf32>, vector<64x64xf32>, vector<1x64xf32> -> vector<1x64xf32>
    %dot_general3A_207 = arith.constant dense<0.000000e+00> : vector<1x64xf32>
    %dot_general3A_208 = tpu.matmul %convert_element_type3A_200, %convert_element_type3A_195, %dot_general3A_207 {dimension_numbers = #tpu.dot_dimension_numbers<[1], [0], [0], [1], [0, 0, 1, 1], [], []>, transpose_lhs_hint = false} : vector<1x64xf32>, vector<64x64xf32>, vector<1x64xf32> -> vector<1x64xf32>
    %add3A_209 = arith.addf %dot_general3A_206, %dot_general3A_208 : vector<1x64xf32>
    %dot_general3A_210 = arith.constant dense<0.000000e+00> : vector<1x64xf32>
    %dot_general3A_211 = tpu.matmul %convert_element_type3A_204, %convert_element_type3A_195, %dot_general3A_210 {dimension_numbers = #tpu.dot_dimension_numbers<[1], [0], [0], [1], [0, 0, 1, 1], [], []>, transpose_lhs_hint = false} : vector<1x64xf32>, vector<64x64xf32>, vector<1x64xf32> -> vector<1x64xf32>
    %add3A_212 = arith.addf %add3A_209, %dot_general3A_211 : vector<1x64xf32>
    %get3A_213 = arith.constant 0 : index
    %get3A_214 = arith.constant 0 : index
    %get3A_215 = vector.load %arg12[%get3A_213, %get3A_214] : memref<1x64xf32, #tpu.memory_space<vmem>>, vector<1x64xf32>
    %mul3A_216 = vector.broadcast %reshape3A : vector<1x1xf32> to vector<1x64xf32>
    %mul3A_217 = arith.mulf %mul3A_216, %get3A_215 : vector<1x64xf32>
    %add3A_218 = arith.addf %add3A_212, %mul3A_217 : vector<1x64xf32>
    %get3A_219 = arith.constant 0 : index
    %get3A_220 = arith.constant 0 : index
    %get3A_221 = vector.load %arg13[%get3A_219, %get3A_220] : memref<64x64xf32, #tpu.memory_space<vmem>>, vector<64x64xf32>
    %convert_element_type3A_222 = arith.truncf %get3A_221 : vector<64x64xf32> to vector<64x64xbf16>
    %convert_element_type3A_223 = arith.extf %convert_element_type3A_222 : vector<64x64xbf16> to vector<64x64xf32>
    %convert_element_type3A_224 = arith.truncf %add3A_190 : vector<1x64xf32> to vector<1x64xbf16>
    %convert_element_type3A_225 = arith.extf %convert_element_type3A_224 : vector<1x64xbf16> to vector<1x64xf32>
    %sub3A_226 = arith.subf %add3A_190, %convert_element_type3A_225 : vector<1x64xf32>
    %convert_element_type3A_227 = arith.truncf %sub3A_226 : vector<1x64xf32> to vector<1x64xbf16>
    %convert_element_type3A_228 = arith.extf %convert_element_type3A_227 : vector<1x64xbf16> to vector<1x64xf32>
    %sub3A_229 = arith.subf %add3A_190, %convert_element_type3A_225 : vector<1x64xf32>
    %sub3A_230 = arith.subf %sub3A_229, %convert_element_type3A_228 : vector<1x64xf32>
    %convert_element_type3A_231 = arith.truncf %sub3A_230 : vector<1x64xf32> to vector<1x64xbf16>
    %convert_element_type3A_232 = arith.extf %convert_element_type3A_231 : vector<1x64xbf16> to vector<1x64xf32>
    %dot_general3A_233 = arith.constant dense<0.000000e+00> : vector<1x64xf32>
    %dot_general3A_234 = tpu.matmul %convert_element_type3A_225, %convert_element_type3A_223, %dot_general3A_233 {dimension_numbers = #tpu.dot_dimension_numbers<[1], [0], [0], [1], [0, 0, 1, 1], [], []>, transpose_lhs_hint = false} : vector<1x64xf32>, vector<64x64xf32>, vector<1x64xf32> -> vector<1x64xf32>
    %dot_general3A_235 = arith.constant dense<0.000000e+00> : vector<1x64xf32>
    %dot_general3A_236 = tpu.matmul %convert_element_type3A_228, %convert_element_type3A_223, %dot_general3A_235 {dimension_numbers = #tpu.dot_dimension_numbers<[1], [0], [0], [1], [0, 0, 1, 1], [], []>, transpose_lhs_hint = false} : vector<1x64xf32>, vector<64x64xf32>, vector<1x64xf32> -> vector<1x64xf32>
    %add3A_237 = arith.addf %dot_general3A_234, %dot_general3A_236 : vector<1x64xf32>
    %dot_general3A_238 = arith.constant dense<0.000000e+00> : vector<1x64xf32>
    %dot_general3A_239 = tpu.matmul %convert_element_type3A_232, %convert_element_type3A_223, %dot_general3A_238 {dimension_numbers = #tpu.dot_dimension_numbers<[1], [0], [0], [1], [0, 0, 1, 1], [], []>, transpose_lhs_hint = false} : vector<1x64xf32>, vector<64x64xf32>, vector<1x64xf32> -> vector<1x64xf32>
    %add3A_240 = arith.addf %add3A_237, %dot_general3A_239 : vector<1x64xf32>
    %get3A_241 = arith.constant 0 : index
    %get3A_242 = arith.constant 0 : index
    %get3A_243 = vector.load %arg14[%get3A_241, %get3A_242] : memref<1x64xf32, #tpu.memory_space<vmem>>, vector<1x64xf32>
    %mul3A_244 = vector.broadcast %reshape3A : vector<1x1xf32> to vector<1x64xf32>
    %mul3A_245 = arith.mulf %mul3A_244, %get3A_243 : vector<1x64xf32>
    %add3A_246 = arith.addf %add3A_240, %mul3A_245 : vector<1x64xf32>
    %get3A_247 = arith.constant 0 : index
    %get3A_248 = arith.constant 0 : index
    %get3A_249 = vector.load %arg6[%get3A_247, %get3A_248] : memref<1x128xf32, #tpu.memory_space<vmem>>, vector<1x128xf32>
    %convert_element_type3A_250 = arith.truncf %get3A_249 : vector<1x128xf32> to vector<1x128xbf16>
    %convert_element_type3A_251 = arith.extf %convert_element_type3A_250 : vector<1x128xbf16> to vector<1x128xf32>
    %get3A_252 = arith.constant 0 : index
    %get3A_253 = arith.constant 0 : index
    %get3A_254 = vector.load %arg7[%get3A_252, %get3A_253] : memref<128x64xf32, #tpu.memory_space<vmem>>, vector<128x64xf32>
    %convert_element_type3A_255 = arith.truncf %get3A_254 : vector<128x64xf32> to vector<128x64xbf16>
    %convert_element_type3A_256 = arith.extf %convert_element_type3A_255 : vector<128x64xbf16> to vector<128x64xf32>
    %dot_general3A_257 = arith.constant dense<0.000000e+00> : vector<1x64xf32>
    %dot_general3A_258 = tpu.matmul %convert_element_type3A_251, %convert_element_type3A_256, %dot_general3A_257 {dimension_numbers = #tpu.dot_dimension_numbers<[1], [0], [0], [1], [0, 0, 1, 1], [], []>, transpose_lhs_hint = false} : vector<1x128xf32>, vector<128x64xf32>, vector<1x64xf32> -> vector<1x64xf32>
    %get3A_259 = arith.constant 0 : index
    %get3A_260 = arith.constant 0 : index
    %get3A_261 = vector.load %arg8[%get3A_259, %get3A_260] : memref<1x64xf32, #tpu.memory_space<vmem>>, vector<1x64xf32>
    %add3A_262 = arith.addf %dot_general3A_258, %get3A_261 : vector<1x64xf32>
    %add3A_263 = arith.addf %add3A_262, %add3A_218 : vector<1x64xf32>
    %convert_element_type3A_264 = arith.truncf %add3A_263 : vector<1x64xf32> to vector<1x64xbf16>
    %convert_element_type3A_265 = arith.extf %convert_element_type3A_264 : vector<1x64xbf16> to vector<1x64xf32>
    %get3A_266 = arith.constant 0 : index
    %get3A_267 = arith.constant 0 : index
    %get3A_268 = vector.load %arg15[%get3A_266, %get3A_267] : memref<64x64xf32, #tpu.memory_space<vmem>>, vector<64x64xf32>
    %convert_element_type3A_269 = arith.truncf %get3A_268 : vector<64x64xf32> to vector<64x64xbf16>
    %convert_element_type3A_270 = arith.extf %convert_element_type3A_269 : vector<64x64xbf16> to vector<64x64xf32>
    %dot_general3A_271 = arith.constant dense<0.000000e+00> : vector<1x64xf32>
    %dot_general3A_272 = tpu.matmul %convert_element_type3A_265, %convert_element_type3A_270, %dot_general3A_271 {dimension_numbers = #tpu.dot_dimension_numbers<[1], [0], [0], [1], [0, 0, 1, 1], [], []>, transpose_lhs_hint = false} : vector<1x64xf32>, vector<64x64xf32>, vector<1x64xf32> -> vector<1x64xf32>
    %get3A_273 = arith.constant 0 : index
    %get3A_274 = arith.constant 0 : index
    %get3A_275 = vector.load %arg16[%get3A_273, %get3A_274] : memref<1x64xf32, #tpu.memory_space<vmem>>, vector<1x64xf32>
    %add3A_276 = arith.addf %dot_general3A_272, %get3A_275 : vector<1x64xf32>
    %max3A_277 = arith.constant 0.000000e+00 : f32
    %max3A_278 = vector.broadcast %max3A_277 : f32 to vector<1x64xf32>
    %max3A_279 = arith.maximumf %add3A_276, %max3A_278 : vector<1x64xf32>
    %add3A_280 = arith.addf %max3A_279, %add3A_246 : vector<1x64xf32>
    %convert_element_type3A_281 = arith.truncf %add3A_280 : vector<1x64xf32> to vector<1x64xbf16>
    %convert_element_type3A_282 = arith.extf %convert_element_type3A_281 : vector<1x64xbf16> to vector<1x64xf32>
    %get3A_283 = arith.constant 0 : index
    %get3A_284 = arith.constant 0 : index
    %get3A_285 = vector.load %arg17[%get3A_283, %get3A_284] : memref<64x64xf32, #tpu.memory_space<vmem>>, vector<64x64xf32>
    %convert_element_type3A_286 = arith.truncf %get3A_285 : vector<64x64xf32> to vector<64x64xbf16>
    %convert_element_type3A_287 = arith.extf %convert_element_type3A_286 : vector<64x64xbf16> to vector<64x64xf32>
    %dot_general3A_288 = arith.constant dense<0.000000e+00> : vector<1x64xf32>
    %dot_general3A_289 = tpu.matmul %convert_element_type3A_282, %convert_element_type3A_287, %dot_general3A_288 {dimension_numbers = #tpu.dot_dimension_numbers<[1], [0], [0], [1], [0, 0, 1, 1], [], []>, transpose_lhs_hint = false} : vector<1x64xf32>, vector<64x64xf32>, vector<1x64xf32> -> vector<1x64xf32>
    %get3A_290 = arith.constant 0 : index
    %get3A_291 = arith.constant 0 : index
    %get3A_292 = vector.load %arg18[%get3A_290, %get3A_291] : memref<1x64xf32, #tpu.memory_space<vmem>>, vector<1x64xf32>
    %add3A_293 = arith.addf %dot_general3A_289, %get3A_292 : vector<1x64xf32>
    %max3A_294 = arith.constant 0.000000e+00 : f32
    %max3A_295 = vector.broadcast %max3A_294 : f32 to vector<1x64xf32>
    %max3A_296 = arith.maximumf %add3A_293, %max3A_295 : vector<1x64xf32>
    %get3A_297 = arith.constant 0 : index
    %get3A_298 = arith.constant 0 : index
    %get3A_299 = vector.load %arg19[%get3A_297, %get3A_298] : memref<64x32xf32, #tpu.memory_space<vmem>>, vector<64x32xf32>
    %convert_element_type3A_300 = arith.truncf %get3A_299 : vector<64x32xf32> to vector<64x32xbf16>
    %convert_element_type3A_301 = arith.extf %convert_element_type3A_300 : vector<64x32xbf16> to vector<64x32xf32>
    %sub3A_302 = arith.subf %get3A_299, %convert_element_type3A_301 : vector<64x32xf32>
    %convert_element_type3A_303 = arith.truncf %sub3A_302 : vector<64x32xf32> to vector<64x32xbf16>
    %convert_element_type3A_304 = arith.extf %convert_element_type3A_303 : vector<64x32xbf16> to vector<64x32xf32>
    %sub3A_305 = arith.subf %get3A_299, %convert_element_type3A_301 : vector<64x32xf32>
    %sub3A_306 = arith.subf %sub3A_305, %convert_element_type3A_304 : vector<64x32xf32>
    %convert_element_type3A_307 = arith.truncf %sub3A_306 : vector<64x32xf32> to vector<64x32xbf16>
    %convert_element_type3A_308 = arith.extf %convert_element_type3A_307 : vector<64x32xbf16> to vector<64x32xf32>
    %convert_element_type3A_309 = arith.truncf %max3A_296 : vector<1x64xf32> to vector<1x64xbf16>
    %convert_element_type3A_310 = arith.extf %convert_element_type3A_309 : vector<1x64xbf16> to vector<1x64xf32>
    %sub3A_311 = arith.subf %max3A_296, %convert_element_type3A_310 : vector<1x64xf32>
    %convert_element_type3A_312 = arith.truncf %sub3A_311 : vector<1x64xf32> to vector<1x64xbf16>
    %convert_element_type3A_313 = arith.extf %convert_element_type3A_312 : vector<1x64xbf16> to vector<1x64xf32>
    %sub3A_314 = arith.subf %max3A_296, %convert_element_type3A_310 : vector<1x64xf32>
    %sub3A_315 = arith.subf %sub3A_314, %convert_element_type3A_313 : vector<1x64xf32>
    %convert_element_type3A_316 = arith.truncf %sub3A_315 : vector<1x64xf32> to vector<1x64xbf16>
    %convert_element_type3A_317 = arith.extf %convert_element_type3A_316 : vector<1x64xbf16> to vector<1x64xf32>
    %dot_general3A_318 = arith.constant dense<0.000000e+00> : vector<1x32xf32>
    %dot_general3A_319 = tpu.matmul %convert_element_type3A_310, %convert_element_type3A_301, %dot_general3A_318 {dimension_numbers = #tpu.dot_dimension_numbers<[1], [0], [0], [1], [0, 0, 1, 1], [], []>, transpose_lhs_hint = false} : vector<1x64xf32>, vector<64x32xf32>, vector<1x32xf32> -> vector<1x32xf32>
    %dot_general3A_320 = arith.constant dense<0.000000e+00> : vector<1x32xf32>
    %dot_general3A_321 = tpu.matmul %convert_element_type3A_310, %convert_element_type3A_304, %dot_general3A_320 {dimension_numbers = #tpu.dot_dimension_numbers<[1], [0], [0], [1], [0, 0, 1, 1], [], []>, transpose_lhs_hint = false} : vector<1x64xf32>, vector<64x32xf32>, vector<1x32xf32> -> vector<1x32xf32>
    %add3A_322 = arith.addf %dot_general3A_319, %dot_general3A_321 : vector<1x32xf32>
    %dot_general3A_323 = arith.constant dense<0.000000e+00> : vector<1x32xf32>
    %dot_general3A_324 = tpu.matmul %convert_element_type3A_310, %convert_element_type3A_308, %dot_general3A_323 {dimension_numbers = #tpu.dot_dimension_numbers<[1], [0], [0], [1], [0, 0, 1, 1], [], []>, transpose_lhs_hint = false} : vector<1x64xf32>, vector<64x32xf32>, vector<1x32xf32> -> vector<1x32xf32>
    %add3A_325 = arith.addf %add3A_322, %dot_general3A_324 : vector<1x32xf32>
    %dot_general3A_326 = arith.constant dense<0.000000e+00> : vector<1x32xf32>
    %dot_general3A_327 = tpu.matmul %convert_element_type3A_313, %convert_element_type3A_301, %dot_general3A_326 {dimension_numbers = #tpu.dot_dimension_numbers<[1], [0], [0], [1], [0, 0, 1, 1], [], []>, transpose_lhs_hint = false} : vector<1x64xf32>, vector<64x32xf32>, vector<1x32xf32> -> vector<1x32xf32>
    %add3A_328 = arith.addf %add3A_325, %dot_general3A_327 : vector<1x32xf32>
    %dot_general3A_329 = arith.constant dense<0.000000e+00> : vector<1x32xf32>
    %dot_general3A_330 = tpu.matmul %convert_element_type3A_313, %convert_element_type3A_304, %dot_general3A_329 {dimension_numbers = #tpu.dot_dimension_numbers<[1], [0], [0], [1], [0, 0, 1, 1], [], []>, transpose_lhs_hint = false} : vector<1x64xf32>, vector<64x32xf32>, vector<1x32xf32> -> vector<1x32xf32>
    %add3A_331 = arith.addf %add3A_328, %dot_general3A_330 : vector<1x32xf32>
    %dot_general3A_332 = arith.constant dense<0.000000e+00> : vector<1x32xf32>
    %dot_general3A_333 = tpu.matmul %convert_element_type3A_313, %convert_element_type3A_308, %dot_general3A_332 {dimension_numbers = #tpu.dot_dimension_numbers<[1], [0], [0], [1], [0, 0, 1, 1], [], []>, transpose_lhs_hint = false} : vector<1x64xf32>, vector<64x32xf32>, vector<1x32xf32> -> vector<1x32xf32>
    %add3A_334 = arith.addf %add3A_331, %dot_general3A_333 : vector<1x32xf32>
    %dot_general3A_335 = arith.constant dense<0.000000e+00> : vector<1x32xf32>
    %dot_general3A_336 = tpu.matmul %convert_element_type3A_317, %convert_element_type3A_301, %dot_general3A_335 {dimension_numbers = #tpu.dot_dimension_numbers<[1], [0], [0], [1], [0, 0, 1, 1], [], []>, transpose_lhs_hint = false} : vector<1x64xf32>, vector<64x32xf32>, vector<1x32xf32> -> vector<1x32xf32>
    %add3A_337 = arith.addf %add3A_334, %dot_general3A_336 : vector<1x32xf32>
    %dot_general3A_338 = arith.constant dense<0.000000e+00> : vector<1x32xf32>
    %dot_general3A_339 = tpu.matmul %convert_element_type3A_317, %convert_element_type3A_304, %dot_general3A_338 {dimension_numbers = #tpu.dot_dimension_numbers<[1], [0], [0], [1], [0, 0, 1, 1], [], []>, transpose_lhs_hint = false} : vector<1x64xf32>, vector<64x32xf32>, vector<1x32xf32> -> vector<1x32xf32>
    %add3A_340 = arith.addf %add3A_337, %dot_general3A_339 : vector<1x32xf32>
    %dot_general3A_341 = arith.constant dense<0.000000e+00> : vector<1x32xf32>
    %dot_general3A_342 = tpu.matmul %convert_element_type3A_317, %convert_element_type3A_308, %dot_general3A_341 {dimension_numbers = #tpu.dot_dimension_numbers<[1], [0], [0], [1], [0, 0, 1, 1], [], []>, transpose_lhs_hint = false} : vector<1x64xf32>, vector<64x32xf32>, vector<1x32xf32> -> vector<1x32xf32>
    %add3A_343 = arith.addf %add3A_340, %dot_general3A_342 : vector<1x32xf32>
    %get3A_344 = arith.constant 0 : index
    %get3A_345 = arith.constant 0 : index
    %get3A_346 = vector.load %arg20[%get3A_344, %get3A_345] : memref<1x32xf32, #tpu.memory_space<vmem>>, vector<1x32xf32>
    %add3A_347 = arith.addf %add3A_343, %get3A_346 : vector<1x32xf32>
    %max3A_348 = arith.constant 0.000000e+00 : f32
    %max3A_349 = vector.broadcast %max3A_348 : f32 to vector<1x32xf32>
    %max3A_350 = arith.maximumf %add3A_347, %max3A_349 : vector<1x32xf32>
    %get3A_351 = arith.constant 0 : index
    %get3A_352 = arith.constant 0 : index
    %get3A_353 = vector.load %arg21[%get3A_351, %get3A_352] : memref<32x1xf32, #tpu.memory_space<vmem>>, vector<32x1xf32>
    %convert_element_type3A_354 = arith.truncf %get3A_353 : vector<32x1xf32> to vector<32x1xbf16>
    %convert_element_type3A_355 = arith.extf %convert_element_type3A_354 : vector<32x1xbf16> to vector<32x1xf32>
    %sub3A_356 = arith.subf %get3A_353, %convert_element_type3A_355 : vector<32x1xf32>
    %convert_element_type3A_357 = arith.truncf %sub3A_356 : vector<32x1xf32> to vector<32x1xbf16>
    %convert_element_type3A_358 = arith.extf %convert_element_type3A_357 : vector<32x1xbf16> to vector<32x1xf32>
    %sub3A_359 = arith.subf %get3A_353, %convert_element_type3A_355 : vector<32x1xf32>
    %sub3A_360 = arith.subf %sub3A_359, %convert_element_type3A_358 : vector<32x1xf32>
    %convert_element_type3A_361 = arith.truncf %sub3A_360 : vector<32x1xf32> to vector<32x1xbf16>
    %convert_element_type3A_362 = arith.extf %convert_element_type3A_361 : vector<32x1xbf16> to vector<32x1xf32>
    %convert_element_type3A_363 = arith.truncf %max3A_350 : vector<1x32xf32> to vector<1x32xbf16>
    %convert_element_type3A_364 = arith.extf %convert_element_type3A_363 : vector<1x32xbf16> to vector<1x32xf32>
    %sub3A_365 = arith.subf %max3A_350, %convert_element_type3A_364 : vector<1x32xf32>
    %convert_element_type3A_366 = arith.truncf %sub3A_365 : vector<1x32xf32> to vector<1x32xbf16>
    %convert_element_type3A_367 = arith.extf %convert_element_type3A_366 : vector<1x32xbf16> to vector<1x32xf32>
    %sub3A_368 = arith.subf %max3A_350, %convert_element_type3A_364 : vector<1x32xf32>
    %sub3A_369 = arith.subf %sub3A_368, %convert_element_type3A_367 : vector<1x32xf32>
    %convert_element_type3A_370 = arith.truncf %sub3A_369 : vector<1x32xf32> to vector<1x32xbf16>
    %convert_element_type3A_371 = arith.extf %convert_element_type3A_370 : vector<1x32xbf16> to vector<1x32xf32>
    %dot_general3A_372 = arith.constant dense<0.000000e+00> : vector<1x1xf32>
    %dot_general3A_373 = tpu.matmul %convert_element_type3A_364, %convert_element_type3A_355, %dot_general3A_372 {dimension_numbers = #tpu.dot_dimension_numbers<[1], [0], [0], [1], [0, 0, 1, 1], [], []>, transpose_lhs_hint = false} : vector<1x32xf32>, vector<32x1xf32>, vector<1x1xf32> -> vector<1x1xf32>
    %dot_general3A_374 = arith.constant dense<0.000000e+00> : vector<1x1xf32>
    %dot_general3A_375 = tpu.matmul %convert_element_type3A_364, %convert_element_type3A_358, %dot_general3A_374 {dimension_numbers = #tpu.dot_dimension_numbers<[1], [0], [0], [1], [0, 0, 1, 1], [], []>, transpose_lhs_hint = false} : vector<1x32xf32>, vector<32x1xf32>, vector<1x1xf32> -> vector<1x1xf32>
    %add3A_376 = arith.addf %dot_general3A_373, %dot_general3A_375 : vector<1x1xf32>
    %dot_general3A_377 = arith.constant dense<0.000000e+00> : vector<1x1xf32>
    %dot_general3A_378 = tpu.matmul %convert_element_type3A_364, %convert_element_type3A_362, %dot_general3A_377 {dimension_numbers = #tpu.dot_dimension_numbers<[1], [0], [0], [1], [0, 0, 1, 1], [], []>, transpose_lhs_hint = false} : vector<1x32xf32>, vector<32x1xf32>, vector<1x1xf32> -> vector<1x1xf32>
    %add3A_379 = arith.addf %add3A_376, %dot_general3A_378 : vector<1x1xf32>
    %dot_general3A_380 = arith.constant dense<0.000000e+00> : vector<1x1xf32>
    %dot_general3A_381 = tpu.matmul %convert_element_type3A_367, %convert_element_type3A_355, %dot_general3A_380 {dimension_numbers = #tpu.dot_dimension_numbers<[1], [0], [0], [1], [0, 0, 1, 1], [], []>, transpose_lhs_hint = false} : vector<1x32xf32>, vector<32x1xf32>, vector<1x1xf32> -> vector<1x1xf32>
    %add3A_382 = arith.addf %add3A_379, %dot_general3A_381 : vector<1x1xf32>
    %dot_general3A_383 = arith.constant dense<0.000000e+00> : vector<1x1xf32>
    %dot_general3A_384 = tpu.matmul %convert_element_type3A_367, %convert_element_type3A_358, %dot_general3A_383 {dimension_numbers = #tpu.dot_dimension_numbers<[1], [0], [0], [1], [0, 0, 1, 1], [], []>, transpose_lhs_hint = false} : vector<1x32xf32>, vector<32x1xf32>, vector<1x1xf32> -> vector<1x1xf32>
    %add3A_385 = arith.addf %add3A_382, %dot_general3A_384 : vector<1x1xf32>
    %dot_general3A_386 = arith.constant dense<0.000000e+00> : vector<1x1xf32>
    %dot_general3A_387 = tpu.matmul %convert_element_type3A_367, %convert_element_type3A_362, %dot_general3A_386 {dimension_numbers = #tpu.dot_dimension_numbers<[1], [0], [0], [1], [0, 0, 1, 1], [], []>, transpose_lhs_hint = false} : vector<1x32xf32>, vector<32x1xf32>, vector<1x1xf32> -> vector<1x1xf32>
    %add3A_388 = arith.addf %add3A_385, %dot_general3A_387 : vector<1x1xf32>
    %dot_general3A_389 = arith.constant dense<0.000000e+00> : vector<1x1xf32>
    %dot_general3A_390 = tpu.matmul %convert_element_type3A_371, %convert_element_type3A_355, %dot_general3A_389 {dimension_numbers = #tpu.dot_dimension_numbers<[1], [0], [0], [1], [0, 0, 1, 1], [], []>, transpose_lhs_hint = false} : vector<1x32xf32>, vector<32x1xf32>, vector<1x1xf32> -> vector<1x1xf32>
    %add3A_391 = arith.addf %add3A_388, %dot_general3A_390 : vector<1x1xf32>
    %dot_general3A_392 = arith.constant dense<0.000000e+00> : vector<1x1xf32>
    %dot_general3A_393 = tpu.matmul %convert_element_type3A_371, %convert_element_type3A_358, %dot_general3A_392 {dimension_numbers = #tpu.dot_dimension_numbers<[1], [0], [0], [1], [0, 0, 1, 1], [], []>, transpose_lhs_hint = false} : vector<1x32xf32>, vector<32x1xf32>, vector<1x1xf32> -> vector<1x1xf32>
    %add3A_394 = arith.addf %add3A_391, %dot_general3A_393 : vector<1x1xf32>
    %dot_general3A_395 = arith.constant dense<0.000000e+00> : vector<1x1xf32>
    %dot_general3A_396 = tpu.matmul %convert_element_type3A_371, %convert_element_type3A_362, %dot_general3A_395 {dimension_numbers = #tpu.dot_dimension_numbers<[1], [0], [0], [1], [0, 0, 1, 1], [], []>, transpose_lhs_hint = false} : vector<1x32xf32>, vector<32x1xf32>, vector<1x1xf32> -> vector<1x1xf32>
    %add3A_397 = arith.addf %add3A_394, %dot_general3A_396 : vector<1x1xf32>
    %get3A_398 = arith.constant 0 : index
    %get3A_399 = arith.constant 0 : index
    %get3A_400 = vector.load %arg22[%get3A_398, %get3A_399] : memref<1x1xf32, #tpu.memory_space<vmem>>, vector<1x1xf32>
    %add3A_401 = arith.addf %add3A_397, %get3A_400 : vector<1x1xf32>
    %swap3A_402 = arith.constant 0 : index
    %swap3A_403 = arith.constant 0 : index
    %swap3A_404 = vector.load %arg23[%swap3A_402, %swap3A_403] : memref<1x1xf32, #tpu.memory_space<vmem>>, vector<1x1xf32>
    tpu.vector_store %arg23[%swap3A_402, %swap3A_403], %add3A_401 {strides = array<i32>} : memref<1x1xf32, #tpu.memory_space<vmem>>, vector<1x1xf32>,
    return
  }
}

</mosaic_0001>

<sc_bundles>
// kernel: kernel.4.cloned.1.call-start
scs
__scs_entry_jumppad:
0x0: {  	(pc) =	sbr.rel $0x88, $3  }
0x1: {  	(tag) =	ssettag $0x0;
	lr =	simm.s32 $0x1  }
0x2: {  	[smem:$0x3F8E] =	sst lr;
	_ =	strace $0xD0000000  }
0x3: {  	_ = 	snop  }
0x4: {  	_ = 	snop  }
0x5: {  	_ = 	snop  }
0x6: {  	_ = 	snop  }
0x7: {  	_ = 	snop  }
__scs_overlays_trampoline_lowered:
0x8: {  	[smem:$0x3F9D] =	sst s0  }
0x9: {  	[smem:$0x3F9E] =	sst s1  }
0xa: {  	[smem:$0x3F9F] =	sst s2  }
0xb: {  	[smem:$0x3FA0] =	sst s3  }
0xc: {  	[smem:$0x3FA1] =	sst s4  }
0xd: {  	[smem:$0x3FA2] =	sst s5  }
0xe: {  	[smem:$0x3FA3] =	sst s6  }
0xf: {  	[smem:$0x3FA4] =	sst s7  }
0x10: {  	[smem:$0x3FA5] =	sst s8  }
0x11: {  	[smem:$0x3FA6] =	sst s9;
	s0 =	simm.s32 @!p0 $0x0  }
0x12: {  	s1 =	sld [smem:$0x3F8C];
	s0 =	simm.s32 @p0 $0x1  }
0x13: {  	[smem:$0x3FA7] =	sst s0;
	s0 =	simm.s32 @!p1 $0x0  }
0x14: {  	s2 =	sld [smem:$0x3F8B];
	s0 =	simm.s32 @p1 $0x1  }
0x15: {  	[smem:$0x3FA8] =	sst s0;
	s0 =	simm.s32 @!p2 $0x0  }
0x16: {  	s3 =	sld [smem:$0x3FDB];
	s0 =	simm.s32 @p2 $0x1  }
0x17: {  	s4 =	simm.s32 $0x1BF5;
	[smem:$0x3FAA] =	sst s0  }
0x18: {  	s0 =	sld [smem:$0x3F8D];
	_ =	swait.ge [sflag:s4], $0x0  }
0x19: {  	s7 =	sld [smem:$0x3F8E]  }
0x1a: {  	s8 =	sadd.s32 $0xFFFFE003, lr  }
0x1b: {  	s9 =	sadd.s32 $0xFFFFFEF7, lr;
	s5 =	simm.s32 $0xFFFFFFFF;
	p2 =	slt.u32 s8, $0xFFFFF086  }
0x1c: {  	p1 =	slt.u32 s9, $0xF7A;
	s5 =	simm.s32 @!p2 $0x0  }
0x1d: {  	s5 =	simm.s32 @p1 $0x1;
	p0 =	seq.s32 s7, s2  }
0x1e: {  	s7 =	smul.u32 @!p0 $0xF7A, s2;
	p2 =	seq.s32 @!p0 s5, $0x0  }
0x1f: {  	s9 =	smul.u32 $0xF7A, s1;
	s8 =	simm.s32 @!p0 $0x1BF5;
	p2 =	por !p2, p0  }
0x20: {  	[sflag:s8] =	ssyncset.s32 @!p0 $0xFFFFF086;
	s6 =	sadd.s32 @!p0 s3, s7;
	s7 =	simm.s32 @!p0 $0x108  }
0x21: {  	s3 =	sadd.s32 s3, s9;
	s6 =	sadd.s32 @!p0 $0x88, s6;
	s7 =	simm.s32 @p2 $0x1082  }
0x22: {  	[simem:s7], [sflag:s8] =	dma.local @!p0 [hbm:s6], $0xF7A  }
0x23: {  	s9 =	sor.u32 $0xD0000000, s2;
	s6 =	simm.s32 $0x108;
	_ =	swait.ge @!p0 [sflag:s8], $0x0  }
0x24: {  	s3 =	sadd.s32 $0x88, s3;
	s6 =	simm.s32 @!p1 $0x1082;
	[sflag:s4] =	ssyncset.s32 $0xFFFFF086  }
0x25: {  	[simem:s6], [sflag:s4] =	dma.local [hbm:s3], $0xF7A  }
0x26: {  	[smem:$0x3F8E] =	sst s1;
	(tag) =	ssettag s2;
	_ =	strace s9  }
0x27: {  	s1 =	sld [smem:$0x3F9E]  }
0x28: {  	s2 =	sld [smem:$0x3F9F]  }
0x29: {  	s4 =	sld [smem:$0x3FA1]  }
0x2a: {  	p0 =	seq.s32 s5, $0x0;
	s5 =	sld [smem:$0x3FA2]  }
0x2b: {  	s6 =	sld [smem:$0x3FA3]  }
0x2c: {  	s7 =	sld [smem:$0x3FA4]  }
0x2d: {  	s3 =	simm.s32 $0x108;
	s8 =	sld [smem:$0x3FA5]  }
0x2e: {  	s3 =	simm.s32 @!p0 $0x1082;
	s9 =	sld [smem:$0x3FA6]  }
0x2f: {  	lr =	sadd.s32 s0, s3;
	s0 =	sld [smem:$0x3F9D]  }
0x30: {  	s3 =	sld [smem:$0x3FA0]  }
0x31: {  	[smem:$0x3FA9] =	sst s10  }
0x32: {  	s10 =	sld [smem:$0x3FA7];
	_ =	sdelay $0x3  }
0x33: {  	p0 =	seq.s32 s10, $0x1;
	s10 =	sld [smem:$0x3FA9];
	_ =	sdelay $0x3  }
0x34: {  	[smem:$0x3FA9] =	sst s10  }
0x35: {  	s10 =	sld [smem:$0x3FA8];
	_ =	sdelay $0x3  }
0x36: {  	p1 =	seq.s32 s10, $0x1;
	s10 =	sld [smem:$0x3FA9];
	_ =	sdelay $0x3  }
0x37: {  	[smem:$0x3FA9] =	sst s10  }
0x38: {  	s10 =	sld [smem:$0x3FAA]  }
0x39: {  	_ = 	snop;
	(pc) =	sbr.ind lr, $3  }
0x3a: {  	_ = 	snop  }
0x3b: {  	_ = 	snop  }
0x3c: {  	p2 =	seq.s32 s10, $0x1;
	s10 =	sld [smem:$0x3FA9]  }
0x3d: {  	_ =	shalt  }
0x3e: {  	_ =	shalt  }
0x3f: {  	_ =	shalt  }
0x40: {  	_ =	shalt  }
0x41: {  	_ =	shalt  }
0x42: {  	_ =	shalt  }
0x43: {  	_ =	shalt  }
0x44: {  	_ =	shalt  }
0x45: {  	_ =	shalt  }
0x46: {  	_ =	shalt  }
0x47: {  	_ =	shalt  }
0x48: {  	_ =	shalt  }
0x49: {  	_ =	shalt  }
0x4a: {  	_ =	shalt  }
0x4b: {  	_ =	shalt  }
0x4c: {  	_ =	shalt  }
0x4d: {  	_ =	shalt  }
0x4e: {  	_ =	shalt  }
0x4f: {  	_ =	shalt  }
0x50: {  	_ =	shalt  }
0x51: {  	_ =	shalt  }
0x52: {  	_ =	shalt  }
0x53: {  	_ =	shalt  }
0x54: {  	_ =	shalt  }
0x55: {  	_ =	shalt  }
0x56: {  	_ =	shalt  }
0x57: {  	_ =	shalt  }
0x58: {  	_ =	shalt  }
0x59: {  	_ =	shalt  }
0x5a: {  	_ =	shalt  }
0x5b: {  	_ =	shalt  }
0x5c: {  	_ =	shalt  }
0x5d: {  	_ =	shalt  }
0x5e: {  	_ =	shalt  }
0x5f: {  	_ =	shalt  }
0x60: {  	_ =	shalt  }
0x61: {  	_ =	shalt  }
0x62: {  	_ =	shalt  }
0x63: {  	_ =	shalt  }
0x64: {  	_ =	shalt  }
0x65: {  	_ =	shalt  }
0x66: {  	_ =	shalt  }
0x67: {  	_ =	shalt  }
0x68: {  	_ =	shalt  }
0x69: {  	_ =	shalt  }
0x6a: {  	_ =	shalt  }
0x6b: {  	_ =	shalt  }
0x6c: {  	_ =	shalt  }
0x6d: {  	_ =	shalt  }
0x6e: {  	_ =	shalt  }
0x6f: {  	_ =	shalt  }
0x70: {  	_ =	shalt  }
0x71: {  	_ =	shalt  }
0x72: {  	_ =	shalt  }
0x73: {  	_ =	shalt  }
0x74: {  	_ =	shalt  }
0x75: {  	_ =	shalt  }
0x76: {  	_ =	shalt  }
0x77: {  	_ =	shalt  }
0x78: {  	_ =	shalt  }
0x79: {  	_ =	shalt  }
0x7a: {  	_ =	shalt  }
0x7b: {  	_ =	shalt  }
0x7c: {  	_ =	shalt  }
0x7d: {  	_ =	shalt  }
0x7e: {  	_ =	shalt  }
0x7f: {  	_ =	shalt  }
0x80: {  	_ =	shalt  }
0x81: {  	_ =	shalt  }
0x82: {  	_ =	shalt  }
0x83: {  	_ =	shalt  }
0x84: {  	_ =	shalt  }
0x85: {  	_ =	shalt  }
0x86: {  	_ =	shalt  }
0x87: {  	_ =	shalt  }
.Lfunc_end0:
.L_simem_size_0:
called_computation_lowered:
.L_overlay_start_0:
0x88: {  	s2 =	sld [smem:$0x3FD9]  }
0x89: {  	s3 =	sld [smem:$0x3FFE];
	_ =	sdelay $0x1  }
0x8a: {  	s1 =	srdreg.scid  }
0x8b: {  	s0 =	sand.u32 $0x1, s1  }
0x8c: {  	s17 =	sshll.u32 s0, $0xA;
	s2 =	sadd.s32 s3, s2  }
0x8d: {  	s2 =	sadd.s32 s2, s17  }
0x8e: {  	[smem:$0x3FB5] =	sst s2  }
0x8f: {  	_ = 	snop  }
0x90: {  	s2 =	sld [smem:$0x3FC7];
	(tm) =	ssettm $0x1  }
0x91: {  	s18 =	sld [smem:$0x3FFB];
	_ =	sdelay $0x3  }
0x92: {  	_ =	strace s18  }
0x93: {  	s3 =	sld [smem:$0x3FFC];
	_ =	sdelay $0x3  }
0x94: {  	_ =	strace s3  }
0x95: {  	s3 =	sld [smem:$0x3FFD];
	_ =	sdelay $0x3  }
0x96: {  	_ =	strace s3  }
0x97: {  	_ =	strace $0x8FFFFFFF  }
0x98: {  	s19 =	sld [smem:$0x3FDB];
	_ =	sdelay $0x1  }
0x99: {  	s4 =	simm.s32 $_scs_section_size  }
0x9a: {  	s5 =	simm.s32 $_size__tile_overlayer_lowered;
	s6 =	simm.s32 $_tile_overlayer_lowered  }
0x9b: {  	s22 =	simm.s32 $0x1BFF;
	s21 =	sshll.u32 s6, $0x1;
	s3 =	sadd.s32 s4, s19  }
0x9c: {  	s7 =	simm.s32 $0x0;
	s20 =	sshll.u32 s5, $0x1;
	s5 =	sadd.s32 s21, s3  }
0x9d: {  	[timem:s7], [sflag:s22] =	dma.local [hbm:s5], s20  }
0x9e: {  	_ =	swait.ge [sflag:s22], s20  }
0x9f: {  	s4 =	ssub.s32 $0x0, s20;
	[sflag:s22] =	ssyncset.done $0x0  }
0xa0: {  	[sflag:s22] =	ssyncadd.s32 s4;
	_ =	sdelay $0x1  }
0xa1: {  	s23 =	simm.s32 $0x1B8B  }
0xa2: {  	_ =	swait.ge [sflag:s23], $0x1  }
0xa3: {  	[sflag:s23] =	ssyncset.done $0x0  }
0xa4: {  	s25 =	simm.s32 $0x1B8E;
	s24 =	sld [smem:$0x3FFE];
	[sflag:s23] =	ssyncadd.s32 $0xFFFFFFFF  }
0xa5: {  	s26 =	simm.s32 $execute0_lowered;
	[smem:$0x3FD2] =	sst s25  }
0xa6: {  	s5 =	sshll.u32 s26, $0x1;
	_ =	strace $0x80000046;
	[dreg:$0x1] =	wrdreg $0xFFFFFFFF  }
0xa7: {  	s28 =	simm.s32 $_size_execute0_lowered;
	s3 =	sadd.s32 s3, s5;
	[dreg:$0x0] =	wrdreg $0x0  }
0xa8: {  	s5 =	sshll.u32 s28, $0x1;
	[dreg:$0x2] =	wrdreg s3  }
0xa9: {  	[dreg:$0x3] =	wrdreg s5  }
0xaa: {  	[dreg:$0x4] =	wrdreg $0xC0  }
0xab: {  	_ =	task [dreg:s7], $0x5FFFF  }
0xac: {  	[dreg:$0x1] =	wrdreg $0xFFFFFFFF  }
0xad: {  	[dreg:$0x0] =	wrdreg $0x60  }
0xae: {  	[dreg:$0x2] =	wrdreg s2  }
0xaf: {  	[dreg:$0x3] =	wrdreg s24  }
0xb0: {  	[dreg:$0x4] =	wrdreg $0x9  }
0xb1: {  	_ =	task.clear_ibuf [dreg:s7], $0x5FFFF;
	_ =	strace $0x90000046  }
0xb2: {  	s29 =	simm.s32 $0x9;
	_ =	strace $0x80000048  }
0xb3: {  	_ =	swait.ge [sflag:s29], $0x1  }
0xb4: {  	[sflag:s29] =	ssyncadd.s32 $0xFFFFFFFF  }
0xb5: {  	_ =	strace $0x90000048  }
0xb6: {  	_ =	sfence  }
0xb7: {  	s30 =	sld [smem:$0x0];
	_ =	sdelay $0x2  }
0xb8: {  	s31 =	sshll.u32 s1, $0xD;
	s1 =	sshrl.u32 s1, $0x2  }
0xb9: {  	s3 =	sand.u32 $0x4000, s31;
	s1 =	sadd.s32 s1, s30  }
0xba: {  	s0 =	sor.u32 s3, s0;
	s1 =	sshll.u32 s1, $0x11  }
0xbb: {  	s0 =	sor.u32 s1, s0  }
0xbc: {  	s0 =	sadd.s32 $0x8F2B, s0  }
0xbd: {  	[sflag:s0] =	ssyncadd.remote.s32 $0x1  }
0xbe: {  	_ =	sfence.sel $0xFFFF  }
0xbf: {  	[dreg:$0x0] =	wrdreg $0xFFFFFFFF;
	(pc) =	sbr.abs _section_cstart, $3  }
0xc0: {  	[dreg:$0x1] =	wrdreg $0xFFFFFFFF  }
0xc1: {  	_ =	task.clear_ibuf [dreg:s7], $0x2FFFF;
	_ =	strace $0x9FFFFFFF  }
0xc2: {  	(tm) =	ssettm $0x7FFFFFFF  }
0xc3: {  	_ =	shalt  }
tec
execute0_lowered:
.L_overlay_start_1:
0x0: {  	(tag) =	ssettag $0x1  }
0x1: {  	s1 =	srdreg.scid;
	s3 =	rddreg [dreg:$0x0]  }
0x2: {  	s0 =	stileid.u32;
	s5 =	rddreg [dreg:$0x1];
	s2 =	simm.s32 $0x0  }
0x3: {  	s12 =	simm.s32 $0x2F80;
	s13 =	simm.s32 $0x0;
	s4 =	sand.u32 $0x1, s1  }
0x4: {  	s28 =	sshll.u32 s0, $0x1;
	s1 =	rddreg [dreg:$0x2];
	s7 =	sshrl.u32 s0, $0x2  }
0x5: {  	[smem:$0x7FF] =	sst s2;
	s31 =	smul.u32 $0x4E20, s0;
	s6 =	sor.u32 s4, s28  }
0x6: {  	s9 =	sshll.u32 s7, $0xE;
	s7 =	sshll.u32 s7, $0xA;
	_ =	strace $0x80000047  }
0x7: {  	s30 =	ssub.s32 $0x2, s4;
	s8 =	sshll.u32 s6, $0x7;
	s6 =	smul.u32 $0x2710, s6  }
0x8: {  	s11 =	smul.u32 $0x2710, s4;
	s10 =	sshrl.u32 s30, $0x1;
	s8 =	sand.u32 $0x380, s8  }
0x9: {  	s9 =	sor.u32 s9, s8;
	s7 =	sor.u32 s7, s8;
	s6 =	sshrl.u32 s6, $0x3  }
.Ltmp0:
0xa: {  	s8 =	simm.s32 $0x1;
	s9 =	sshrl.u32 s9, $0x3;
	(pc) =	sbr.rel .LBB2_1-.Ltmp0, $4  }
0xb: {  	s7 =	sshrl.u32 s7, $0x3;
	s3 =	sadd.s32 s3, s6;
	s29 =	sadd.s32 s9, s5  }
0xc: {  	s5 =	sadd.s32 s7, s5;
	s7 =	ssub.s32 s30, s10;
	s9 =	simm.s32 $0x80  }
0xd: {  	s10 =	simm.s32 $0x400;
	s4 =	sadd.s32 $0x2600, s29;
	s5 =	sadd.s32 $0x4600, s5  }
0xe: {  	v0 =	vimm.s32 $0x0;
	s6 =	smax.u32 s7, $0x1;
	s7 =	sadd.s32 s11, s31;
	s11 =	simm.s32 $0x2780  }
.LBB2_8:
0xf: {  	[hbm4b:s4+s9] =	stream.strided.scatter [tilespmem:s11], [sflag:$0x1], $0x800, s10, s9, $0x38;
	[tilespmem:$0x3080] =	vst v63  }
0x10: {  	s13 =	sadd.s32 $0x1, s13;
	_ =	swait.ge [sflag:s8], $0x800  }
0x11: {  	p0 =	sne.s32 s13, s6;
	[sflag:s8] =	ssyncset.done $0x0  }
.Ltmp1:
0x12: {  	[sflag:s8] =	ssyncadd.s32 $0xFFFFF800;
	(pc) =	sbr.rel @!p0 .LBB2_9-.Ltmp1, $4  }
0x13: {  	[hbm4b:s5+s2] =	stream.linear.scatter [tilespmem:s12], [sflag:$0x1], $0x80, $0x38;
	[tilespmem:$0x3080] =	vst v63  }
0x14: {  	_ =	swait.ge [sflag:s8], $0x80  }
0x15: {  	[sflag:s8] =	ssyncset.done $0x0  }
0x16: {  	[sflag:s8] =	ssyncadd.s32 $0xFFFFFF80  }
.LBB2_1:
0x17: {  	[tilespmem:s2], [sflag:$0x1] =	stream.linear.gather [hbm4b:s3+s2], $0x2710, $0x38;
	[tilespmem:$0x3080] =	vst v63  }
.Ltmp2:
0x18: {  	_ = 	snop;
	(pc) =	sbr.rel .LBB2_2-.Ltmp2, $4  }
0x19: {  	_ =	swait.ge [sflag:s8], $0x2710  }
0x1a: {  	[sflag:s8] =	ssyncset.done $0x0  }
0x1b: {  	s14 =	simm.s32 $0x0;
	[sflag:s8] =	ssyncadd.s32 $0xFFFFD8F0  }
0x1c: {  	s15 =	smov.u32 s7;
	s16 =	simm.s32 $0x0;
	[tilespmem:$0x2F80] =	vst v0;
	[smem:$0x0] =	sst s2  }
.LBB2_7:
0x1d: {  	s16 =	sadd.s32 $0x1, s16  }
0x1e: {  	p0 =	sne.s32 s16, $0x19  }
.Ltmp3:
0x1f: {  	_ = 	snop;
	(pc) =	sbr.rel @!p0 .LBB2_8-.Ltmp3, $2  }
0x20: {  	_ =	sdelay $0x2  }
0x21: {  	s15 =	sadd.s32 $0x190, s15;
	s14 =	sadd.s32 $0x190, s14  }
.LBB2_2:
0x22: {  	s17 =	smul.u32 $0x190, s16;
	_ =	sdelay $0x1  }
0x23: {  	v1 =	vld [tilespmem:s17+$0x0]  }
0x24: {  	v2 =	vld [tilespmem:s17+$0x10]  }
0x25: {  	v3 =	vld [tilespmem:s17+$0x20]  }
0x26: {  	v4 =	vld [tilespmem:s17+$0x30]  }
0x27: {  	v5 =	vld [tilespmem:s17+$0x40]  }
0x28: {  	v6 =	vld [tilespmem:s17+$0x50]  }
0x29: {  	v7 =	vld [tilespmem:s17+$0x60]  }
0x2a: {  	v8 =	vld [tilespmem:s17+$0x70]  }
0x2b: {  	v10 =	vld [tilespmem:s17+$0x90]  }
0x2c: {  	v11 =	vld [tilespmem:s17+$0xA0]  }
0x2d: {  	v12 =	vld [tilespmem:s17+$0xB0]  }
0x2e: {  	v13 =	vld [tilespmem:s17+$0xC0]  }
0x2f: {  	v14 =	vld [tilespmem:s17+$0xD0]  }
0x30: {  	v15 =	vld [tilespmem:s17+$0xE0]  }
0x31: {  	v16 =	vld [tilespmem:s17+$0xF0]  }
0x32: {  	v19 =	vld [tilespmem:s17+$0x120]  }
0x33: {  	v20 =	vld [tilespmem:s17+$0x130]  }
0x34: {  	v21 =	vld [tilespmem:s17+$0x140]  }
0x35: {  	v22 =	vld [tilespmem:s17+$0x150]  }
0x36: {  	s18 =	sand.u32 $0x3FF0, s17;
	v18 =	vld [tilespmem:s17+$0x110]  }
0x37: {  	v9 =	vld [tilespmem:s18+$0x80]  }
0x38: {  	v17 =	vld [tilespmem:s18+$0x100];
	vm0 =	vlt.s32 v1, v2;
	vm1 =	vlt.s32 v3, v4;
	vm2 =	vlt.s32 v5, v6  }
0x39: {  	vm10 =	vlt.s32 v7, v8;
	vm12 =	vlt.s32 v11, v12;
	vm13 =	vlt.s32 v13, v14  }
0x3a: {  	v23 =	vld [tilespmem:s17+$0x160];
	vm14 =	vlt.s32 v15, v16;
	vm4 =	vlt.s32 v19, v20;
	vm5 =	vlt.s32 v21, v22  }
0x3b: {  	v1 =	vsel vm0, v1, v2;
	v2 =	vld [tilespmem:s17+$0x170];
	v3 =	vsel vm1, v3, v4;
	v51 =	vsel vm2, v5, v6  }
0x3c: {  	vm11 =	vlt.s32 v9, v10;
	v52 =	vsel vm10, v7, v8;
	v54 =	vsel vm12, v11, v12  }
0x3d: {  	vm15 =	vlt.s32 v17, v18;
	v55 =	vsel vm13, v13, v14;
	v56 =	vsel vm14, v15, v16  }
0x3e: {  	v58 =	vsel vm4, v19, v20;
	v59 =	vsel vm5, v21, v22;
	v53 =	vsel vm11, v9, v10  }
0x3f: {  	v57 =	vsel vm15, v17, v18;
	vm7 =	vlt.s32 v1, v3;
	vm8 =	vlt.s32 v51, v52  }
0x40: {  	vm10 =	vlt.s32 v55, v56;
	vm9 =	vlt.s32 v53, v54;
	vm6 =	vlt.s32 v23, v2  }
0x41: {  	v60 =	vld [tilespmem:s18+$0x180];
	v1 =	vsel vm7, v1, v3;
	v3 =	vsel vm8, v51, v52;
	v2 =	vsel vm6, v23, v2  }
0x42: {  	vm11 =	vlt.s32 v57, v58;
	v62 =	vsel vm10, v55, v56;
	vm12 =	vlt.s32 v59, v2  }
0x43: {  	v61 =	vsel vm9, v53, v54;
	v63 =	vsel vm11, v57, v58;
	v2 =	vsel vm12, v59, v2  }
0x44: {  	vm13 =	vlt.s32 v1, v3;
	vm14 =	vlt.s32 v61, v62;
	vm2 =	vlt.s32 v63, v2  }
0x45: {  	v1 =	vsel vm13, v1, v3;
	v3 =	vsel vm14, v61, v62;
	v2 =	vsel vm2, v63, v2  }
0x46: {  	vm0 =	vlt.s32 v1, v3;
	vm15 =	vlt.s32 v2, v60  }
0x47: {  	v1 =	vsel vm0, v1, v3;
	v2 =	vsel vm15, v2, v60  }
0x48: {  	vm0 =	vlt.s32 v1, v2  }
0x49: {  	v1 =	vsel vm0, v1, v2  }
0x4a: {  	[tilespmem:$0x3000] =	vst v1  }
0x4b: {  	[tilespmem:$0x3010] =	vst v1  }
0x4c: {  	v2 =	vld [tilespmem:$0x3008];
	_ =	sdelay $0x4  }
0x4d: {  	vm0 =	vlt.s32 v1, v2  }
0x4e: {  	v1 =	vsel vm0, v1, v2  }
0x4f: {  	[tilespmem:$0x3000] =	vst v1  }
0x50: {  	[tilespmem:$0x3010] =	vst v1  }
0x51: {  	v2 =	vld [tilespmem:$0x300C];
	_ =	sdelay $0x4  }
0x52: {  	vm0 =	vlt.s32 v1, v2  }
0x53: {  	v1 =	vsel vm0, v1, v2  }
0x54: {  	[tilespmem:$0x3000] =	vst v1  }
0x55: {  	[tilespmem:$0x3010] =	vst v1  }
0x56: {  	v2 =	vld [tilespmem:$0x300E];
	_ =	sdelay $0x4  }
0x57: {  	vm0 =	vlt.s32 v1, v2  }
0x58: {  	v1 =	vsel vm0, v1, v2  }
0x59: {  	[tilespmem:$0x3000] =	vst v1  }
0x5a: {  	[tilespmem:$0x3010] =	vst v1  }
0x5b: {  	v2 =	vld [tilespmem:$0x300F];
	_ =	sdelay $0x4  }
0x5c: {  	vm0 =	vlt.s32 v1, v2  }
0x5d: {  	v1 =	vsel vm0, v1, v2  }
0x5e: {  	(v2sf) =	vpush v1, $0x0;
	_ =	sdelay $0xe  }
0x5f: {  	s31 =	spop (v2sf)  }
0x60: {  	p0 =	sne.s32 s31, $0x0  }
.Ltmp4:
0x61: {  	_ = 	snop;
	(pc) =	sbr.rel @p0 .LBB2_7-.Ltmp4, $1  }
0x62: {  	_ =	sdelay $0x3  }
.Ltmp5:
0x63: {  	(pc) =	sbr.rel .LBB2_4-.Ltmp5, $2  }
0x64: {  	_ =	sdelay $0x2  }
0x65: {  	s17 =	simm.s32 $0x0;
	s18 =	smov.u32 s14  }
.LBB2_6:
0x66: {  	s17 =	sadd.s32 $0x10, s17  }
0x67: {  	p0 =	sne.s32 s17, $0x190  }
.Ltmp6:
0x68: {  	_ = 	snop;
	(pc) =	sbr.rel @!p0 .LBB2_7-.Ltmp6, $2  }
0x69: {  	_ =	sdelay $0x2  }
0x6a: {  	s18 =	sadd.s32 $0x10, s18  }
.LBB2_4:
0x6b: {  	v1 =	vld [tilespmem:s18+$0x0];
	_ =	sdelay $0x4  }
0x6c: {  	[tilespmem:$0x3000] =	vst v1  }
0x6d: {  	[tilespmem:$0x3010] =	vst v1  }
0x6e: {  	v2 =	vld [tilespmem:$0x3008];
	_ =	sdelay $0x4  }
0x6f: {  	vm0 =	vlt.s32 v1, v2  }
0x70: {  	v2 =	vsel vm0, v1, v2  }
0x71: {  	[tilespmem:$0x3000] =	vst v2  }
0x72: {  	[tilespmem:$0x3010] =	vst v2  }
0x73: {  	v3 =	vld [tilespmem:$0x300C];
	_ =	sdelay $0x4  }
0x74: {  	vm0 =	vlt.s32 v2, v3  }
0x75: {  	v2 =	vsel vm0, v2, v3  }
0x76: {  	[tilespmem:$0x3000] =	vst v2  }
0x77: {  	[tilespmem:$0x3010] =	vst v2  }
0x78: {  	v3 =	vld [tilespmem:$0x300E];
	_ =	sdelay $0x4  }
0x79: {  	vm0 =	vlt.s32 v2, v3  }
0x7a: {  	v2 =	vsel vm0, v2, v3  }
0x7b: {  	[tilespmem:$0x3000] =	vst v2  }
0x7c: {  	[tilespmem:$0x3010] =	vst v2  }
0x7d: {  	v3 =	vld [tilespmem:$0x300F];
	_ =	sdelay $0x4  }
0x7e: {  	vm0 =	vlt.s32 v2, v3  }
0x7f: {  	v2 =	vsel vm0, v2, v3  }
0x80: {  	(v2sf) =	vpush v2, $0x0;
	_ =	sdelay $0xe  }
0x81: {  	s19 =	spop (v2sf)  }
0x82: {  	p0 =	sne.s32 s19, $0x0  }
.Ltmp7:
0x83: {  	_ = 	snop;
	(pc) =	sbr.rel @p0 .LBB2_6-.Ltmp7, $1  }
0x84: {  	_ =	sdelay $0x3  }
0x85: {  	(v2sf) =	vpush v1, $0x0;
	_ =	sdelay $0x5  }
0x86: {  	(v2sf) =	vpush v1, $0x1;
	_ =	sdelay $0x8  }
0x87: {  	s19 =	spop (v2sf);
	(v2sf) =	vpush v1, $0x2  }
0x88: {  	p1 =	sne.s32 s19, $0x0  }
0x89: {  	s19 =	sld @!p1 [smem:$0x0];
	_ =	sdelay $0x2  }
0x8a: {  	p0 =	sgt.s32 @!p1 s19, $0x7F  }
0x8b: {  	s22 =	spop (v2sf);
	p0 =	por p0, p1  }
0x8c: {  	(v2sf) =	vpush v1, $0x3;
	s21 =	sadd.s32 @!p1 $0x1, s19;
	s20 =	sadd.s32 @!p0 s17, s15;
	s19 =	sshll.u32 @!p0 s19, $0x6  }
0x8d: {  	p2 =	sne.s32 s22, $0x0;
	[smem:$0x0] =	sst @!p1 s21;
	v2 =	vmov @!p0 s20;
	s19 =	sshra.s32 @!p0 s19, $0x2  }
0x8e: {  	s20 =	sld @!p2 [smem:$0x0];
	[tilespmem:s19+$0x2780] =	vst @!p0 v2  }
0x8f: {  	v2 =	vld @!p1 [tilespmem:$0x2F80];
	_ =	sdelay $0x1  }
0x90: {  	p0 =	sgt.s32 @!p2 s20, $0x7F  }
0x91: {  	p3 =	por p0, p2  }
0x92: {  	s21 =	sadd.s32 @!p2 $0x1, s20;
	s19 =	sadd.s32 @!p3 s17, s15  }
0x93: {  	s20 =	sshll.u32 @!p3 s20, $0x6;
	s19 =	sadd.s32 @!p3 $0x1, s19;
	s25 =	spop (v2sf);
	v2 =	vadd.s32 @!p1 $0x1, v2  }
0x94: {  	[smem:$0x0] =	sst @!p2 s21;
	(v2sf) =	vpush v1, $0x4;
	p0 =	sne.s32 s25, $0x0;
	[tilespmem:$0x2F80] =	vst @!p1 v2;
	v2 =	vmov @!p3 s19;
	s19 =	sshra.s32 @!p3 s20, $0x2  }
0x95: {  	s20 =	sld @!p0 [smem:$0x0];
	[tilespmem:s19+$0x2780] =	vst @!p3 v2  }
0x96: {  	v2 =	vld @!p2 [tilespmem:$0x2F80];
	_ =	sdelay $0x1  }
0x97: {  	p1 =	sgt.s32 @!p0 s20, $0x7F  }
0x98: {  	p3 =	por p1, p0  }
0x99: {  	s26 =	spop (v2sf);
	s19 =	sadd.s32 @!p3 s17, s15  }
0x9a: {  	(v2sf) =	vpush v1, $0x5;
	s21 =	sadd.s32 @!p0 $0x1, s20;
	s20 =	sshll.u32 @!p3 s20, $0x6;
	s19 =	sadd.s32 @!p3 $0x2, s19;
	v2 =	vadd.s32 @!p2 $0x1, v2  }
0x9b: {  	[smem:$0x0] =	sst @!p0 s21;
	p1 =	sne.s32 s26, $0x0;
	[tilespmem:$0x2F80] =	vst @!p2 v2;
	v2 =	vmov @!p3 s19;
	s19 =	sshra.s32 @!p3 s20, $0x2  }
0x9c: {  	s20 =	sld @!p1 [smem:$0x0];
	[tilespmem:s19+$0x2780] =	vst @!p3 v2  }
0x9d: {  	v2 =	vld @!p0 [tilespmem:$0x2F80];
	_ =	sdelay $0x1  }
0x9e: {  	p2 =	sgt.s32 @!p1 s20, $0x7F  }
0x9f: {  	p3 =	por p2, p1  }
0xa0: {  	s21 =	sadd.s32 @!p1 $0x1, s20;
	s19 =	sadd.s32 @!p3 s17, s15  }
0xa1: {  	s20 =	sshll.u32 @!p3 s20, $0x6;
	s19 =	sadd.s32 @!p3 $0x3, s19;
	s28 =	spop (v2sf);
	v2 =	vadd.s32 @!p0 $0x1, v2  }
0xa2: {  	[smem:$0x0] =	sst @!p1 s21;
	(v2sf) =	vpush v1, $0x6;
	p2 =	sne.s32 s28, $0x0;
	[tilespmem:$0x2F80] =	vst @!p0 v2;
	v2 =	vmov @!p3 s19;
	s19 =	sshra.s32 @!p3 s20, $0x2  }
0xa3: {  	s20 =	sld @!p2 [smem:$0x0];
	[tilespmem:s19+$0x2780] =	vst @!p3 v2  }
0xa4: {  	v2 =	vld @!p1 [tilespmem:$0x2F80];
	_ =	sdelay $0x1  }
0xa5: {  	p0 =	sgt.s32 @!p2 s20, $0x7F  }
0xa6: {  	p3 =	por p0, p2  }
0xa7: {  	s29 =	spop (v2sf);
	s19 =	sadd.s32 @!p3 s17, s15  }
0xa8: {  	(v2sf) =	vpush v1, $0x7;
	s21 =	sadd.s32 @!p2 $0x1, s20;
	s20 =	sshll.u32 @!p3 s20, $0x6;
	s19 =	sadd.s32 @!p3 $0x4, s19;
	v2 =	vadd.s32 @!p1 $0x1, v2  }
0xa9: {  	[smem:$0x0] =	sst @!p2 s21;
	p0 =	sne.s32 s29, $0x0;
	[tilespmem:$0x2F80] =	vst @!p1 v2;
	v2 =	vmov @!p3 s19;
	s19 =	sshra.s32 @!p3 s20, $0x2  }
0xaa: {  	s20 =	sld @!p0 [smem:$0x0];
	[tilespmem:s19+$0x2780] =	vst @!p3 v2  }
0xab: {  	v2 =	vld @!p2 [tilespmem:$0x2F80];
	_ =	sdelay $0x1  }
0xac: {  	p1 =	sgt.s32 @!p0 s20, $0x7F  }
0xad: {  	p3 =	por p1, p0  }
0xae: {  	s21 =	sadd.s32 @!p0 $0x1, s20;
	s19 =	sadd.s32 @!p3 s17, s15  }
0xaf: {  	s30 =	spop (v2sf);
	s20 =	sshll.u32 @!p3 s20, $0x6;
	s19 =	sadd.s32 @!p3 $0x5, s19;
	v2 =	vadd.s32 @!p2 $0x1, v2  }
0xb0: {  	[smem:$0x0] =	sst @!p0 s21;
	(v2sf) =	vpush v1, $0x8;
	p1 =	sne.s32 s30, $0x0;
	[tilespmem:$0x2F80] =	vst @!p2 v2;
	v2 =	vmov @!p3 s19;
	s19 =	sshra.s32 @!p3 s20, $0x2  }
0xb1: {  	s20 =	sld @!p1 [smem:$0x0];
	[tilespmem:s19+$0x2780] =	vst @!p3 v2  }
0xb2: {  	v2 =	vld @!p0 [tilespmem:$0x2F80];
	_ =	sdelay $0x1  }
0xb3: {  	p2 =	sgt.s32 @!p1 s20, $0x7F  }
0xb4: {  	p3 =	por p2, p1  }
0xb5: {  	s31 =	spop (v2sf);
	s19 =	sadd.s32 @!p3 s17, s15  }
0xb6: {  	(v2sf) =	vpush v1, $0x9;
	s21 =	sadd.s32 @!p1 $0x1, s20;
	s20 =	sshll.u32 @!p3 s20, $0x6;
	s19 =	sadd.s32 @!p3 $0x6, s19;
	v2 =	vadd.s32 @!p0 $0x1, v2  }
0xb7: {  	[smem:$0x0] =	sst @!p1 s21;
	p2 =	sne.s32 s31, $0x0;
	[tilespmem:$0x2F80] =	vst @!p0 v2;
	v2 =	vmov @!p3 s19;
	s19 =	sshra.s32 @!p3 s20, $0x2  }
0xb8: {  	s20 =	sld @!p2 [smem:$0x0];
	[tilespmem:s19+$0x2780] =	vst @!p3 v2  }
0xb9: {  	v2 =	vld @!p1 [tilespmem:$0x2F80];
	_ =	sdelay $0x1  }
0xba: {  	p0 =	sgt.s32 @!p2 s20, $0x7F  }
0xbb: {  	p3 =	por p0, p2  }
0xbc: {  	s21 =	sadd.s32 @!p2 $0x1, s20;
	s19 =	sadd.s32 @!p3 s17, s15  }
0xbd: {  	s23 =	spop (v2sf);
	s20 =	sshll.u32 @!p3 s20, $0x6;
	s19 =	sadd.s32 @!p3 $0x7, s19;
	v2 =	vadd.s32 @!p1 $0x1, v2  }
0xbe: {  	[smem:$0x0] =	sst @!p2 s21;
	(v2sf) =	vpush v1, $0xA;
	p0 =	sne.s32 s23, $0x0;
	[tilespmem:$0x2F80] =	vst @!p1 v2;
	v2 =	vmov @!p3 s19;
	s19 =	sshra.s32 @!p3 s20, $0x2  }
0xbf: {  	s20 =	sld @!p0 [smem:$0x0];
	[tilespmem:s19+$0x2780] =	vst @!p3 v2  }
0xc0: {  	v2 =	vld @!p2 [tilespmem:$0x2F80];
	_ =	sdelay $0x1  }
0xc1: {  	p1 =	sgt.s32 @!p0 s20, $0x7F  }
0xc2: {  	p3 =	por p1, p0  }
0xc3: {  	s24 =	spop (v2sf);
	s19 =	sadd.s32 @!p3 s17, s15  }
0xc4: {  	(v2sf) =	vpush v1, $0xB;
	s21 =	sadd.s32 @!p0 $0x1, s20;
	s20 =	sshll.u32 @!p3 s20, $0x6;
	s19 =	sadd.s32 @!p3 $0x8, s19;
	v2 =	vadd.s32 @!p2 $0x1, v2  }
0xc5: {  	[smem:$0x0] =	sst @!p0 s21;
	p1 =	sne.s32 s24, $0x0;
	[tilespmem:$0x2F80] =	vst @!p2 v2;
	v2 =	vmov @!p3 s19;
	s19 =	sshra.s32 @!p3 s20, $0x2  }
0xc6: {  	s20 =	sld @!p1 [smem:$0x0];
	[tilespmem:s19+$0x2780] =	vst @!p3 v2  }
0xc7: {  	v2 =	vld @!p0 [tilespmem:$0x2F80];
	_ =	sdelay $0x1  }
0xc8: {  	p2 =	sgt.s32 @!p1 s20, $0x7F  }
0xc9: {  	p3 =	por p2, p1  }
0xca: {  	s21 =	sadd.s32 @!p1 $0x1, s20;
	s19 =	sadd.s32 @!p3 s17, s15  }
0xcb: {  	s25 =	spop (v2sf);
	(v2sf) =	vpush v1, $0xC;
	s20 =	sshll.u32 @!p3 s20, $0x6;
	s19 =	sadd.s32 @!p3 $0x9, s19;
	v2 =	vadd.s32 @!p0 $0x1, v2  }
0xcc: {  	[smem:$0x0] =	sst @!p1 s21;
	p2 =	sne.s32 s25, $0x0;
	[tilespmem:$0x2F80] =	vst @!p0 v2;
	v2 =	vmov @!p3 s19;
	s19 =	sshra.s32 @!p3 s20, $0x2  }
0xcd: {  	s20 =	sld @!p2 [smem:$0x0];
	[tilespmem:s19+$0x2780] =	vst @!p3 v2  }
0xce: {  	v2 =	vld @!p1 [tilespmem:$0x2F80];
	_ =	sdelay $0x1  }
0xcf: {  	p0 =	sgt.s32 @!p2 s20, $0x7F  }
0xd0: {  	p3 =	por p0, p2  }
0xd1: {  	s26 =	spop (v2sf);
	s19 =	sadd.s32 @!p3 s17, s15  }
0xd2: {  	(v2sf) =	vpush v1, $0xD;
	s21 =	sadd.s32 @!p2 $0x1, s20;
	s20 =	sshll.u32 @!p3 s20, $0x6;
	s19 =	sadd.s32 @!p3 $0xA, s19;
	v2 =	vadd.s32 @!p1 $0x1, v2  }
0xd3: {  	[smem:$0x0] =	sst @!p2 s21;
	p0 =	sne.s32 s26, $0x0;
	[tilespmem:$0x2F80] =	vst @!p1 v2;
	v2 =	vmov @!p3 s19;
	s19 =	sshra.s32 @!p3 s20, $0x2  }
0xd4: {  	s20 =	sld @!p0 [smem:$0x0];
	[tilespmem:s19+$0x2780] =	vst @!p3 v2  }
0xd5: {  	v2 =	vld @!p2 [tilespmem:$0x2F80];
	_ =	sdelay $0x1  }
0xd6: {  	p1 =	sgt.s32 @!p0 s20, $0x7F  }
0xd7: {  	p3 =	por p1, p0  }
0xd8: {  	s28 =	spop (v2sf);
	s19 =	sadd.s32 @!p3 s17, s15  }
0xd9: {  	(v2sf) =	vpush v1, $0xE;
	s21 =	sadd.s32 @!p0 $0x1, s20;
	s20 =	sshll.u32 @!p3 s20, $0x6;
	s19 =	sadd.s32 @!p3 $0xB, s19;
	v2 =	vadd.s32 @!p2 $0x1, v2  }
0xda: {  	[smem:$0x0] =	sst @!p0 s21;
	p1 =	sne.s32 s28, $0x0;
	[tilespmem:$0x2F80] =	vst @!p2 v2;
	v2 =	vmov @!p3 s19;
	s19 =	sshra.s32 @!p3 s20, $0x2  }
0xdb: {  	s20 =	sld @!p1 [smem:$0x0];
	[tilespmem:s19+$0x2780] =	vst @!p3 v2  }
0xdc: {  	v2 =	vld @!p0 [tilespmem:$0x2F80];
	_ =	sdelay $0x1  }
0xdd: {  	p2 =	sgt.s32 @!p1 s20, $0x7F  }
0xde: {  	p3 =	por p2, p1  }
0xdf: {  	s29 =	spop (v2sf);
	s19 =	sadd.s32 @!p3 s17, s15  }
0xe0: {  	(v2sf) =	vpush v1, $0xF;
	s21 =	sadd.s32 @!p1 $0x1, s20;
	s20 =	sshll.u32 @!p3 s20, $0x6;
	s19 =	sadd.s32 @!p3 $0xC, s19;
	v2 =	vadd.s32 @!p0 $0x1, v2  }
0xe1: {  	[smem:$0x0] =	sst @!p1 s21;
	p2 =	sne.s32 s29, $0x0;
	[tilespmem:$0x2F80] =	vst @!p0 v2;
	v2 =	vmov @!p3 s19;
	s19 =	sshra.s32 @!p3 s20, $0x2  }
0xe2: {  	s20 =	sld @!p2 [smem:$0x0];
	[tilespmem:s19+$0x2780] =	vst @!p3 v2  }
0xe3: {  	v1 =	vld @!p1 [tilespmem:$0x2F80];
	_ =	sdelay $0x1  }
0xe4: {  	p0 =	sgt.s32 @!p2 s20, $0x7F  }
0xe5: {  	p3 =	por p0, p2  }
0xe6: {  	s30 =	spop (v2sf);
	s19 =	sadd.s32 @!p3 s17, s15  }
0xe7: {  	s22 =	sadd.s32 @!p2 $0x1, s20;
	s20 =	sshll.u32 @!p3 s20, $0x6;
	s19 =	sadd.s32 @!p3 $0xD, s19;
	v1 =	vadd.s32 @!p1 $0x1, v1  }
0xe8: {  	[smem:$0x0] =	sst @!p2 s22;
	p0 =	sne.s32 s30, $0x0;
	[tilespmem:$0x2F80] =	vst @!p1 v1;
	v1 =	vmov @!p3 s19;
	s19 =	sshra.s32 @!p3 s20, $0x2  }
0xe9: {  	s20 =	sld @!p0 [smem:$0x0];
	[tilespmem:s19+$0x2780] =	vst @!p3 v1  }
0xea: {  	v1 =	vld @!p2 [tilespmem:$0x2F80];
	_ =	sdelay $0x1  }
0xeb: {  	p1 =	sgt.s32 @!p0 s20, $0x7F  }
0xec: {  	p3 =	por p1, p0  }
0xed: {  	s31 =	spop (v2sf);
	s19 =	sadd.s32 @!p3 s17, s15  }
0xee: {  	s21 =	sshll.u32 @!p3 s20, $0x6;
	s20 =	sadd.s32 @!p0 $0x1, s20;
	s19 =	sadd.s32 @!p3 $0xE, s19;
	v1 =	vadd.s32 @!p2 $0x1, v1  }
0xef: {  	p1 =	sne.s32 s31, $0x0;
	[smem:$0x0] =	sst @!p0 s20;
	v2 =	vmov @!p3 s19;
	s19 =	sshra.s32 @!p3 s21, $0x2;
	[tilespmem:$0x2F80] =	vst @!p2 v1  }
0xf0: {  	[tilespmem:s19+$0x2780] =	vst @!p3 v2;
	s19 =	sld @!p1 [smem:$0x0]  }
0xf1: {  	v1 =	vld @!p0 [tilespmem:$0x2F80];
	_ =	sdelay $0x1  }
0xf2: {  	p2 =	sgt.s32 @!p1 s19, $0x7F  }
0xf3: {  	p2 =	por p2, p1  }
0xf4: {  	s20 =	sadd.s32 @!p2 s17, s15  }
0xf5: {  	s21 =	sshll.u32 @!p2 s19, $0x6;
	v1 =	vadd.s32 @!p0 $0x1, v1;
	s20 =	sadd.s32 @!p2 $0xF, s20  }
0xf6: {  	v2 =	vmov @!p2 s20;
	[tilespmem:$0x2F80] =	vst @!p0 v1;
	s20 =	sshra.s32 @!p2 s21, $0x2  }
0xf7: {  	[tilespmem:s20+$0x2780] =	vst @!p2 v2  }
0xf8: {  	v1 =	vld @!p1 [tilespmem:$0x2F80];
	_ =	sdelay $0x1  }
.Ltmp8:
0xf9: {  	_ = 	snop;
	(pc) =	sbr.rel .LBB2_6-.Ltmp8, $3  }
0xfa: {  	_ =	sdelay $0x1  }
0xfb: {  	s19 =	sadd.s32 @!p1 $0x1, s19;
	v1 =	vadd.s32 @!p1 $0x1, v1  }
0xfc: {  	[smem:$0x0] =	sst @!p1 s19;
	[tilespmem:$0x2F80] =	vst @!p1 v1  }
.LBB2_9:
0xfd: {  	_ =	sfence.sel $0x180000  }
0xfe: {  	[bflag:$0x0] =	sbarrier.arrive $0xFFFF  }
0xff: {  	p0 =	sne.s32 s0, $0x0;
	_ =	strace $0x90000047  }
0x100: {  	s0 =	sadd.s32 @!p0 $0x100000, s1;
	[bflag:$0x2] =	sbarrier.arrive $0xFFFF  }
0x101: {  	[sflag:s0] =	ssyncadd.tile.s32 @!p0 $0x1;
	_ =	shalt  }
.Lfunc_end2:
_tile_overlayer_lowered:
.L_overlay_start_2:
0x102: {  	(tag) =	ssettag $0x2  }
0x103: {  	s0 =	rddreg [dreg:$0x0];
	s2 =	stileid.u32  }
0x104: {  	s1 =	rddreg [dreg:$0x1];
	p0 =	sne.s32 s2, $0x0  }
0x105: {  	s3 =	rddreg [dreg:$0x2];
	[bflag:$0x3] =	sbarrier.arrive $0xFFFF;
	s2 =	simm.s32 @!p0 $0x1C01  }
0x106: {  	[timem:s3], [sflag:s2] =	dma.local @!p0 [hbm:s0], s1  }
0x107: {  	s0 =	simm.s32 @!p0 $0x1  }
0x108: {  	_ =	swait.ge @!p0 [sflag:s0], s1  }
0x109: {  	s1 =	ssub.s32 @!p0 $0x0, s1;
	[sflag:s0] =	ssyncset.done @!p0 $0x0  }
0x10a: {  	[sflag:s0] =	ssyncadd.s32 @!p0 s1  }
0x10b: {  	[bflag:$0x3] =	sbarrier.arrive $0xFFFF  }
0x10c: {  	_ =	shalt  }

</sc_bundles>
